<compile_context>
chip_gen: v7x
topology: tpu7x:2x2x1
jax: 0.10.2.dev20260603
libtpu: 0.0.44.dev20260713+nightly
codegen_flags: <defaults>
</compile_context>

<pallas_src>
import functools

import jax
import jax.numpy as jnp
from jax import lax
from jax.experimental import pallas as pl
from jax.experimental.pallas import tpu as pltpu
from jax.experimental.pallas import tpu_sc as plsc

_B, _C, _N_IN = 4, 64, 196608
_N_OUT = _N_IN // 4
_TOT_IN = _B * _C * _N_IN
_TOT_OUT = _TOT_IN // 4
_NC, _NS = 2, 16
_NW = _NC * _NS
_IN_PER_W = _TOT_IN // _NW
_OUT_PER_W = _IN_PER_W // 4
_NSLOT = 3
_IC = 32768
_OC = _IC // 4
_NCHUNK = _IN_PER_W // _IC
_ROWS_PER_W = (_B * _C) // _NW
_CHUNKS_PER_ROW = _N_IN // _IC


@functools.partial(
    pl.kernel,
    out_type=jax.ShapeDtypeStruct((_B, _C, _N_OUT), jnp.float32),
    mesh=plsc.VectorSubcoreMesh(
        core_axis_name="c", subcore_axis_name="s",
        num_cores=_NC, num_subcores=_NS),
    scratch_types=(
        [pltpu.VMEM((_IC,), jnp.float32)] * _NSLOT
        + [pltpu.VMEM((_OC + 16,), jnp.float32)] * _NSLOT
        + [pltpu.SemaphoreType.DMA((_NSLOT,)),
           pltpu.SemaphoreType.DMA((_NSLOT,))]
    ),
    compiler_params=pltpu.CompilerParams(needs_layout_passes=False),
)
def _down(x_hbm, y_hbm, *bufs):
    ibuf = bufs[:_NSLOT]
    obuf = bufs[_NSLOT:2 * _NSLOT]
    isem, osem = bufs[2 * _NSLOT], bufs[2 * _NSLOT + 1]
    cid = lax.axis_index("c")
    sid = lax.axis_index("s")
    wid = sid * _NC + cid
    row0 = wid * _ROWS_PER_W
    lane = lax.iota(jnp.int32, 16)
    idx_r = tuple(lane * 4 + (lane // 4 + r) % 4 for r in range(4))

    def in_slice(g):
        row = row0 + g // _CHUNKS_PER_ROW
        p = g % _CHUNKS_PER_ROW
        return x_hbm.at[row // _C, row % _C, pl.ds(p * _IC, _IC)]

    def out_slice(g):
        row = row0 + g // _CHUNKS_PER_ROW
        p = g % _CHUNKS_PER_ROW
        return y_hbm.at[row // _C, row % _C, pl.ds(p * _OC, _OC)]

    for s in range(_NSLOT - 1):
        pltpu.async_copy(in_slice(s), ibuf[s], isem.at[s])

    @pl.loop(0, _NCHUNK // _NSLOT)
    def _outer(gg):
        for b in range(_NSLOT):
            g = gg * _NSLOT + b
            pf = (b + _NSLOT - 1) % _NSLOT

            @pl.when(g + _NSLOT - 1 < _NCHUNK)
            def _():
                pltpu.async_copy(
                    in_slice(g + _NSLOT - 1), ibuf[pf], isem.at[pf])

            pltpu.make_async_copy(in_slice(g), ibuf[b], isem.at[b]).wait()

            @pl.when(g >= _NSLOT)
            def _():
                pltpu.make_async_copy(
                    obuf[b].at[pl.ds(0, _OC)], out_slice(g - _NSLOT),
                    osem.at[b]).wait()

            ib = ibuf[b]
            ob = obuf[b]

            @plsc.parallel_loop(0, _OC // 16, unroll=8)
            def _step(v):
                base = v * 64
                v0 = plsc.load_gather(ib, [base + idx_r[0]])
                v1 = plsc.load_gather(ib, [base + idx_r[1]])
                v2 = plsc.load_gather(ib, [base + idx_r[2]])
                v3 = plsc.load_gather(ib, [base + idx_r[3]])
                m = jnp.maximum(jnp.maximum(v0, v1), jnp.maximum(v2, v3))
                ob[pl.ds(v * 16, 16)] = m

            pltpu.async_copy(
                obuf[b].at[pl.ds(0, _OC)], out_slice(g), osem.at[b])

    for b in range(_NSLOT):
        pltpu.make_async_copy(
            obuf[b].at[pl.ds(0, _OC)], out_slice(_NCHUNK - _NSLOT + b),
            osem.at[b]).wait()


def kernel(x):
    return _down(x)

# --- scband reference (transcript-rebuilt; emitter-appended) ---
"""Pipeline reference for scband-sphere-down-geo-85504208929433 (READ-ONLY COPY).

The authoritative reference and input builder live on the scoring server;
editing this copy changes nothing except your own understanding.
"""

import jax, jax.numpy as jnp
import numpy as np

NSIDE_IN = 128
NSIDE_OUT = NSIDE_IN // 2
N_IN = 12 * NSIDE_IN * NSIDE_IN
N_OUT = 12 * NSIDE_OUT * NSIDE_OUT
B, C = 4, 64


def setup_inputs(seed: int = 0) -> dict:
    key = jax.random.key(seed)
    x = jax.random.normal(key, (B, C, N_IN), dtype=jnp.float32)
    return {"x": x}


def reference(x):
    # SphereDownGeo with mode='maxpool', full-sphere input (in_cell_ids=None,
    # cell_ids_out=None -> cell_ids_out = arange(N_out)).
    # children_full[k] = [4k, 4k+1, 4k+2, 4k+3] (NESTED indexing), then max over
    # the 4 available children per coarse pixel: y[b,c,k] = max_i x[b,c,children[k,i]].
    cell_ids_out = jnp.arange(N_OUT, dtype=jnp.int32)
    children = 4 * cell_ids_out[:, None] + jnp.arange(4, dtype=jnp.int32)[None, :]  # [N_OUT, 4]
    gathered = jnp.take(x, children.reshape(-1), axis=2)  # [B, C, N_OUT*4]
    gathered = gathered.reshape(x.shape[0], x.shape[1], N_OUT, 4)
    y = jnp.max(gathered, axis=-1)  # [B, C, N_OUT]
    return y

if __name__ == "__main__":
    import jax
    _d = setup_inputs()
    print(jax.jit(kernel)(*tuple(_d.values())))

</pallas_src>

<mosaic_0001>
#map = affine_map<(d0, d1) -> (0, 0, 0)>
module attributes {stable_mosaic.version = 14 : i64} {
  func.func @_down(%arg0: i32, %arg1: i32, %arg2: memref<4x64x196608xf32, #tpu.memory_space<hbm>>, %arg3: memref<4x64x49152xf32, #tpu.memory_space<hbm>>, %arg4: memref<32768xf32, #tpu.memory_space<vmem>>, %arg5: memref<32768xf32, #tpu.memory_space<vmem>>, %arg6: memref<32768xf32, #tpu.memory_space<vmem>>, %arg7: memref<8208xf32, #tpu.memory_space<vmem>>, %arg8: memref<8208xf32, #tpu.memory_space<vmem>>, %arg9: memref<8208xf32, #tpu.memory_space<vmem>>, %arg10: memref<3x!tpu.dma_semaphore, #tpu.memory_space<semaphore_mem>>, %arg11: memref<3x!tpu.dma_semaphore, #tpu.memory_space<semaphore_mem>>) attributes {dimension_semantics = [#tpu.dimension_semantics<core_parallel>, #tpu.dimension_semantics<subcore_parallel>], iteration_bounds = array<i64: 2, 16>, scalar_prefetch = 0 : i64, scratch_operands = 8 : i64, tpu.core_type = #tpu.core_type<sc_vector_subcore>, window_params = [{transform_indices = #map}, {transform_indices = #map}]} {
    %mul3A = arith.constant 2 : i32
    %mul3A_0 = arith.muli %arg1, %mul3A : i32
    %add3A = arith.addi %mul3A_0, %arg0 : i32
    %mul3A_1 = arith.constant 8 : i32
    %mul3A_2 = arith.muli %add3A, %mul3A_1 : i32
    %iota3A = tpu.iota {dimensions = array<i32: 0>} : vector<16xi32>
    %mul3A_3 = arith.constant 4 : i32
    %mul3A_4 = vector.broadcast %mul3A_3 : i32 to vector<16xi32>
    %mul3A_5 = arith.muli %iota3A, %mul3A_4 : vector<16xi32>
    %jit3A = arith.constant 4 : i32
    %div3A = vector.broadcast %jit3A : i32 to vector<16xi32>
    %div3A_6 = arith.divsi %iota3A, %div3A : vector<16xi32>
    %sign3A = arith.constant 0 : i32
    %sign3A_7 = vector.broadcast %sign3A : i32 to vector<16xi32>
    %sign3A_8 = arith.cmpi sgt, %iota3A, %sign3A_7 : vector<16xi32>
    %sign3A_9 = arith.extui %sign3A_8 : vector<16xi1> to vector<16xi32>
    %sign3A_10 = arith.constant 0 : i32
    %sign3A_11 = vector.broadcast %sign3A_10 : i32 to vector<16xi32>
    %sign3A_12 = arith.cmpi slt, %iota3A, %sign3A_11 : vector<16xi32>
    %sign3A_13 = arith.extui %sign3A_12 : vector<16xi1> to vector<16xi32>
    %sign3A_14 = arith.subi %sign3A_9, %sign3A_13 : vector<16xi32>
    %sign3A_15 = arith.constant 0 : i32
    %sign3A_16 = arith.cmpi sgt, %jit3A, %sign3A_15 : i32
    %sign3A_17 = arith.extui %sign3A_16 : i1 to i32
    %sign3A_18 = arith.constant 0 : i32
    %sign3A_19 = arith.cmpi slt, %jit3A, %sign3A_18 : i32
    %sign3A_20 = arith.extui %sign3A_19 : i1 to i32
    %sign3A_21 = arith.subi %sign3A_17, %sign3A_20 : i32
    %ne3A = vector.broadcast %sign3A_21 : i32 to vector<16xi32>
    %ne3A_22 = arith.cmpi ne, %sign3A_14, %ne3A : vector<16xi32>
    %rem3A = vector.broadcast %jit3A : i32 to vector<16xi32>
    %rem3A_23 = arith.remsi %iota3A, %rem3A : vector<16xi32>
    %ne3A_24 = arith.constant 0 : i32
    %ne3A_25 = vector.broadcast %ne3A_24 : i32 to vector<16xi32>
    %ne3A_26 = arith.cmpi ne, %rem3A_23, %ne3A_25 : vector<16xi32>
    %and3A = arith.andi %ne3A_22, %ne3A_26 : vector<16xi1>
    %sub3A = arith.constant 1 : i32
    %sub3A_27 = vector.broadcast %sub3A : i32 to vector<16xi32>
    %sub3A_28 = arith.subi %div3A_6, %sub3A_27 : vector<16xi32>
    %select_n3A = arith.select %and3A, %sub3A_28, %div3A_6 : vector<16xi1>, vector<16xi32>
    %add3A_29 = arith.constant 0 : i32
    %add3A_30 = vector.broadcast %add3A_29 : i32 to vector<16xi32>
    %add3A_31 = arith.addi %select_n3A, %add3A_30 : vector<16xi32>
    %jit3A_32 = arith.constant 4 : i32
    %eq3A = arith.constant 0 : i32
    %eq3A_33 = arith.cmpi eq, %jit3A_32, %eq3A : i32
    %jit3A_34 = arith.constant 1 : i32
    %select_n3A_35 = arith.select %eq3A_33, %jit3A_34, %jit3A_32 : i32
    %rem3A_36 = vector.broadcast %select_n3A_35 : i32 to vector<16xi32>
    %rem3A_37 = arith.remsi %add3A_31, %rem3A_36 : vector<16xi32>
    %ne3A_38 = arith.constant 0 : i32
    %ne3A_39 = vector.broadcast %ne3A_38 : i32 to vector<16xi32>
    %ne3A_40 = arith.cmpi ne, %rem3A_37, %ne3A_39 : vector<16xi32>
    %lt3A = arith.constant 0 : i32
    %lt3A_41 = vector.broadcast %lt3A : i32 to vector<16xi32>
    %lt3A_42 = arith.cmpi slt, %rem3A_37, %lt3A_41 : vector<16xi32>
    %lt3A_43 = arith.constant 0 : i32
    %lt3A_44 = arith.cmpi slt, %select_n3A_35, %lt3A_43 : i32
    %ne3A_45 = vector.broadcast %lt3A_44 : i1 to vector<16xi1>
    %ne3A_46 = vector.broadcast %ne3A_45 : vector<16xi1> to vector<16xi1>
    %ne3A_47 = arith.xori %lt3A_42, %ne3A_46 : vector<16xi1>
    %and3A_48 = arith.andi %ne3A_47, %ne3A_40 : vector<16xi1>
    %add3A_49 = vector.broadcast %select_n3A_35 : i32 to vector<16xi32>
    %add3A_50 = arith.addi %rem3A_37, %add3A_49 : vector<16xi32>
    %select_n3A_51 = arith.select %and3A_48, %add3A_50, %rem3A_37 : vector<16xi1>, vector<16xi32>
    %add3A_52 = arith.addi %mul3A_5, %select_n3A_51 : vector<16xi32>
    %mul3A_53 = arith.constant 4 : i32
    %mul3A_54 = vector.broadcast %mul3A_53 : i32 to vector<16xi32>
    %mul3A_55 = arith.muli %iota3A, %mul3A_54 : vector<16xi32>
    %jit3A_56 = arith.constant 4 : i32
    %div3A_57 = vector.broadcast %jit3A_56 : i32 to vector<16xi32>
    %div3A_58 = arith.divsi %iota3A, %div3A_57 : vector<16xi32>
    %sign3A_59 = arith.constant 0 : i32
    %sign3A_60 = vector.broadcast %sign3A_59 : i32 to vector<16xi32>
    %sign3A_61 = arith.cmpi sgt, %iota3A, %sign3A_60 : vector<16xi32>
    %sign3A_62 = arith.extui %sign3A_61 : vector<16xi1> to vector<16xi32>
    %sign3A_63 = arith.constant 0 : i32
    %sign3A_64 = vector.broadcast %sign3A_63 : i32 to vector<16xi32>
    %sign3A_65 = arith.cmpi slt, %iota3A, %sign3A_64 : vector<16xi32>
    %sign3A_66 = arith.extui %sign3A_65 : vector<16xi1> to vector<16xi32>
    %sign3A_67 = arith.subi %sign3A_62, %sign3A_66 : vector<16xi32>
    %sign3A_68 = arith.constant 0 : i32
    %sign3A_69 = arith.cmpi sgt, %jit3A_56, %sign3A_68 : i32
    %sign3A_70 = arith.extui %sign3A_69 : i1 to i32
    %sign3A_71 = arith.constant 0 : i32
    %sign3A_72 = arith.cmpi slt, %jit3A_56, %sign3A_71 : i32
    %sign3A_73 = arith.extui %sign3A_72 : i1 to i32
    %sign3A_74 = arith.subi %sign3A_70, %sign3A_73 : i32
    %ne3A_75 = vector.broadcast %sign3A_74 : i32 to vector<16xi32>
    %ne3A_76 = arith.cmpi ne, %sign3A_67, %ne3A_75 : vector<16xi32>
    %rem3A_77 = vector.broadcast %jit3A_56 : i32 to vector<16xi32>
    %rem3A_78 = arith.remsi %iota3A, %rem3A_77 : vector<16xi32>
    %ne3A_79 = arith.constant 0 : i32
    %ne3A_80 = vector.broadcast %ne3A_79 : i32 to vector<16xi32>
    %ne3A_81 = arith.cmpi ne, %rem3A_78, %ne3A_80 : vector<16xi32>
    %and3A_82 = arith.andi %ne3A_76, %ne3A_81 : vector<16xi1>
    %sub3A_83 = arith.constant 1 : i32
    %sub3A_84 = vector.broadcast %sub3A_83 : i32 to vector<16xi32>
    %sub3A_85 = arith.subi %div3A_58, %sub3A_84 : vector<16xi32>
    %select_n3A_86 = arith.select %and3A_82, %sub3A_85, %div3A_58 : vector<16xi1>, vector<16xi32>
    %add3A_87 = arith.constant 1 : i32
    %add3A_88 = vector.broadcast %add3A_87 : i32 to vector<16xi32>
    %add3A_89 = arith.addi %select_n3A_86, %add3A_88 : vector<16xi32>
    %jit3A_90 = arith.constant 4 : i32
    %eq3A_91 = arith.constant 0 : i32
    %eq3A_92 = arith.cmpi eq, %jit3A_90, %eq3A_91 : i32
    %jit3A_93 = arith.constant 1 : i32
    %select_n3A_94 = arith.select %eq3A_92, %jit3A_93, %jit3A_90 : i32
    %rem3A_95 = vector.broadcast %select_n3A_94 : i32 to vector<16xi32>
    %rem3A_96 = arith.remsi %add3A_89, %rem3A_95 : vector<16xi32>
    %ne3A_97 = arith.constant 0 : i32
    %ne3A_98 = vector.broadcast %ne3A_97 : i32 to vector<16xi32>
    %ne3A_99 = arith.cmpi ne, %rem3A_96, %ne3A_98 : vector<16xi32>
    %lt3A_100 = arith.constant 0 : i32
    %lt3A_101 = vector.broadcast %lt3A_100 : i32 to vector<16xi32>
    %lt3A_102 = arith.cmpi slt, %rem3A_96, %lt3A_101 : vector<16xi32>
    %lt3A_103 = arith.constant 0 : i32
    %lt3A_104 = arith.cmpi slt, %select_n3A_94, %lt3A_103 : i32
    %ne3A_105 = vector.broadcast %lt3A_104 : i1 to vector<16xi1>
    %ne3A_106 = vector.broadcast %ne3A_105 : vector<16xi1> to vector<16xi1>
    %ne3A_107 = arith.xori %lt3A_102, %ne3A_106 : vector<16xi1>
    %and3A_108 = arith.andi %ne3A_107, %ne3A_99 : vector<16xi1>
    %add3A_109 = vector.broadcast %select_n3A_94 : i32 to vector<16xi32>
    %add3A_110 = arith.addi %rem3A_96, %add3A_109 : vector<16xi32>
    %select_n3A_111 = arith.select %and3A_108, %add3A_110, %rem3A_96 : vector<16xi1>, vector<16xi32>
    %add3A_112 = arith.addi %mul3A_55, %select_n3A_111 : vector<16xi32>
    %mul3A_113 = arith.constant 4 : i32
    %mul3A_114 = vector.broadcast %mul3A_113 : i32 to vector<16xi32>
    %mul3A_115 = arith.muli %iota3A, %mul3A_114 : vector<16xi32>
    %jit3A_116 = arith.constant 4 : i32
    %div3A_117 = vector.broadcast %jit3A_116 : i32 to vector<16xi32>
    %div3A_118 = arith.divsi %iota3A, %div3A_117 : vector<16xi32>
    %sign3A_119 = arith.constant 0 : i32
    %sign3A_120 = vector.broadcast %sign3A_119 : i32 to vector<16xi32>
    %sign3A_121 = arith.cmpi sgt, %iota3A, %sign3A_120 : vector<16xi32>
    %sign3A_122 = arith.extui %sign3A_121 : vector<16xi1> to vector<16xi32>
    %sign3A_123 = arith.constant 0 : i32
    %sign3A_124 = vector.broadcast %sign3A_123 : i32 to vector<16xi32>
    %sign3A_125 = arith.cmpi slt, %iota3A, %sign3A_124 : vector<16xi32>
    %sign3A_126 = arith.extui %sign3A_125 : vector<16xi1> to vector<16xi32>
    %sign3A_127 = arith.subi %sign3A_122, %sign3A_126 : vector<16xi32>
    %sign3A_128 = arith.constant 0 : i32
    %sign3A_129 = arith.cmpi sgt, %jit3A_116, %sign3A_128 : i32
    %sign3A_130 = arith.extui %sign3A_129 : i1 to i32
    %sign3A_131 = arith.constant 0 : i32
    %sign3A_132 = arith.cmpi slt, %jit3A_116, %sign3A_131 : i32
    %sign3A_133 = arith.extui %sign3A_132 : i1 to i32
    %sign3A_134 = arith.subi %sign3A_130, %sign3A_133 : i32
    %ne3A_135 = vector.broadcast %sign3A_134 : i32 to vector<16xi32>
    %ne3A_136 = arith.cmpi ne, %sign3A_127, %ne3A_135 : vector<16xi32>
    %rem3A_137 = vector.broadcast %jit3A_116 : i32 to vector<16xi32>
    %rem3A_138 = arith.remsi %iota3A, %rem3A_137 : vector<16xi32>
    %ne3A_139 = arith.constant 0 : i32
    %ne3A_140 = vector.broadcast %ne3A_139 : i32 to vector<16xi32>
    %ne3A_141 = arith.cmpi ne, %rem3A_138, %ne3A_140 : vector<16xi32>
    %and3A_142 = arith.andi %ne3A_136, %ne3A_141 : vector<16xi1>
    %sub3A_143 = arith.constant 1 : i32
    %sub3A_144 = vector.broadcast %sub3A_143 : i32 to vector<16xi32>
    %sub3A_145 = arith.subi %div3A_118, %sub3A_144 : vector<16xi32>
    %select_n3A_146 = arith.select %and3A_142, %sub3A_145, %div3A_118 : vector<16xi1>, vector<16xi32>
    %add3A_147 = arith.constant 2 : i32
    %add3A_148 = vector.broadcast %add3A_147 : i32 to vector<16xi32>
    %add3A_149 = arith.addi %select_n3A_146, %add3A_148 : vector<16xi32>
    %jit3A_150 = arith.constant 4 : i32
    %eq3A_151 = arith.constant 0 : i32
    %eq3A_152 = arith.cmpi eq, %jit3A_150, %eq3A_151 : i32
    %jit3A_153 = arith.constant 1 : i32
    %select_n3A_154 = arith.select %eq3A_152, %jit3A_153, %jit3A_150 : i32
    %rem3A_155 = vector.broadcast %select_n3A_154 : i32 to vector<16xi32>
    %rem3A_156 = arith.remsi %add3A_149, %rem3A_155 : vector<16xi32>
    %ne3A_157 = arith.constant 0 : i32
    %ne3A_158 = vector.broadcast %ne3A_157 : i32 to vector<16xi32>
    %ne3A_159 = arith.cmpi ne, %rem3A_156, %ne3A_158 : vector<16xi32>
    %lt3A_160 = arith.constant 0 : i32
    %lt3A_161 = vector.broadcast %lt3A_160 : i32 to vector<16xi32>
    %lt3A_162 = arith.cmpi slt, %rem3A_156, %lt3A_161 : vector<16xi32>
    %lt3A_163 = arith.constant 0 : i32
    %lt3A_164 = arith.cmpi slt, %select_n3A_154, %lt3A_163 : i32
    %ne3A_165 = vector.broadcast %lt3A_164 : i1 to vector<16xi1>
    %ne3A_166 = vector.broadcast %ne3A_165 : vector<16xi1> to vector<16xi1>
    %ne3A_167 = arith.xori %lt3A_162, %ne3A_166 : vector<16xi1>
    %and3A_168 = arith.andi %ne3A_167, %ne3A_159 : vector<16xi1>
    %add3A_169 = vector.broadcast %select_n3A_154 : i32 to vector<16xi32>
    %add3A_170 = arith.addi %rem3A_156, %add3A_169 : vector<16xi32>
    %select_n3A_171 = arith.select %and3A_168, %add3A_170, %rem3A_156 : vector<16xi1>, vector<16xi32>
    %add3A_172 = arith.addi %mul3A_115, %select_n3A_171 : vector<16xi32>
    %mul3A_173 = arith.constant 4 : i32
    %mul3A_174 = vector.broadcast %mul3A_173 : i32 to vector<16xi32>
    %mul3A_175 = arith.muli %iota3A, %mul3A_174 : vector<16xi32>
    %jit3A_176 = arith.constant 4 : i32
    %div3A_177 = vector.broadcast %jit3A_176 : i32 to vector<16xi32>
    %div3A_178 = arith.divsi %iota3A, %div3A_177 : vector<16xi32>
    %sign3A_179 = arith.constant 0 : i32
    %sign3A_180 = vector.broadcast %sign3A_179 : i32 to vector<16xi32>
    %sign3A_181 = arith.cmpi sgt, %iota3A, %sign3A_180 : vector<16xi32>
    %sign3A_182 = arith.extui %sign3A_181 : vector<16xi1> to vector<16xi32>
    %sign3A_183 = arith.constant 0 : i32
    %sign3A_184 = vector.broadcast %sign3A_183 : i32 to vector<16xi32>
    %sign3A_185 = arith.cmpi slt, %iota3A, %sign3A_184 : vector<16xi32>
    %sign3A_186 = arith.extui %sign3A_185 : vector<16xi1> to vector<16xi32>
    %sign3A_187 = arith.subi %sign3A_182, %sign3A_186 : vector<16xi32>
    %sign3A_188 = arith.constant 0 : i32
    %sign3A_189 = arith.cmpi sgt, %jit3A_176, %sign3A_188 : i32
    %sign3A_190 = arith.extui %sign3A_189 : i1 to i32
    %sign3A_191 = arith.constant 0 : i32
    %sign3A_192 = arith.cmpi slt, %jit3A_176, %sign3A_191 : i32
    %sign3A_193 = arith.extui %sign3A_192 : i1 to i32
    %sign3A_194 = arith.subi %sign3A_190, %sign3A_193 : i32
    %ne3A_195 = vector.broadcast %sign3A_194 : i32 to vector<16xi32>
    %ne3A_196 = arith.cmpi ne, %sign3A_187, %ne3A_195 : vector<16xi32>
    %rem3A_197 = vector.broadcast %jit3A_176 : i32 to vector<16xi32>
    %rem3A_198 = arith.remsi %iota3A, %rem3A_197 : vector<16xi32>
    %ne3A_199 = arith.constant 0 : i32
    %ne3A_200 = vector.broadcast %ne3A_199 : i32 to vector<16xi32>
    %ne3A_201 = arith.cmpi ne, %rem3A_198, %ne3A_200 : vector<16xi32>
    %and3A_202 = arith.andi %ne3A_196, %ne3A_201 : vector<16xi1>
    %sub3A_203 = arith.constant 1 : i32
    %sub3A_204 = vector.broadcast %sub3A_203 : i32 to vector<16xi32>
    %sub3A_205 = arith.subi %div3A_178, %sub3A_204 : vector<16xi32>
    %select_n3A_206 = arith.select %and3A_202, %sub3A_205, %div3A_178 : vector<16xi1>, vector<16xi32>
    %add3A_207 = arith.constant 3 : i32
    %add3A_208 = vector.broadcast %add3A_207 : i32 to vector<16xi32>
    %add3A_209 = arith.addi %select_n3A_206, %add3A_208 : vector<16xi32>
    %jit3A_210 = arith.constant 4 : i32
    %eq3A_211 = arith.constant 0 : i32
    %eq3A_212 = arith.cmpi eq, %jit3A_210, %eq3A_211 : i32
    %jit3A_213 = arith.constant 1 : i32
    %select_n3A_214 = arith.select %eq3A_212, %jit3A_213, %jit3A_210 : i32
    %rem3A_215 = vector.broadcast %select_n3A_214 : i32 to vector<16xi32>
    %rem3A_216 = arith.remsi %add3A_209, %rem3A_215 : vector<16xi32>
    %ne3A_217 = arith.constant 0 : i32
    %ne3A_218 = vector.broadcast %ne3A_217 : i32 to vector<16xi32>
    %ne3A_219 = arith.cmpi ne, %rem3A_216, %ne3A_218 : vector<16xi32>
    %lt3A_220 = arith.constant 0 : i32
    %lt3A_221 = vector.broadcast %lt3A_220 : i32 to vector<16xi32>
    %lt3A_222 = arith.cmpi slt, %rem3A_216, %lt3A_221 : vector<16xi32>
    %lt3A_223 = arith.constant 0 : i32
    %lt3A_224 = arith.cmpi slt, %select_n3A_214, %lt3A_223 : i32
    %ne3A_225 = vector.broadcast %lt3A_224 : i1 to vector<16xi1>
    %ne3A_226 = vector.broadcast %ne3A_225 : vector<16xi1> to vector<16xi1>
    %ne3A_227 = arith.xori %lt3A_222, %ne3A_226 : vector<16xi1>
    %and3A_228 = arith.andi %ne3A_227, %ne3A_219 : vector<16xi1>
    %add3A_229 = vector.broadcast %select_n3A_214 : i32 to vector<16xi32>
    %add3A_230 = arith.addi %rem3A_216, %add3A_229 : vector<16xi32>
    %select_n3A_231 = arith.select %and3A_228, %add3A_230, %rem3A_216 : vector<16xi1>, vector<16xi32>
    %add3A_232 = arith.addi %mul3A_175, %select_n3A_231 : vector<16xi32>
    %add3A_233 = arith.constant 0 : i32
    %add3A_234 = arith.addi %mul3A_2, %add3A_233 : i32
    %jit3A_235 = arith.constant 64 : i32
    %div3A_236 = arith.divsi %add3A_234, %jit3A_235 : i32
    %sign3A_237 = arith.constant 0 : i32
    %sign3A_238 = arith.cmpi sgt, %add3A_234, %sign3A_237 : i32
    %sign3A_239 = arith.extui %sign3A_238 : i1 to i32
    %sign3A_240 = arith.constant 0 : i32
    %sign3A_241 = arith.cmpi slt, %add3A_234, %sign3A_240 : i32
    %sign3A_242 = arith.extui %sign3A_241 : i1 to i32
    %sign3A_243 = arith.subi %sign3A_239, %sign3A_242 : i32
    %sign3A_244 = arith.constant 0 : i32
    %sign3A_245 = arith.cmpi sgt, %jit3A_235, %sign3A_244 : i32
    %sign3A_246 = arith.extui %sign3A_245 : i1 to i32
    %sign3A_247 = arith.constant 0 : i32
    %sign3A_248 = arith.cmpi slt, %jit3A_235, %sign3A_247 : i32
    %sign3A_249 = arith.extui %sign3A_248 : i1 to i32
    %sign3A_250 = arith.subi %sign3A_246, %sign3A_249 : i32
    %ne3A_251 = arith.cmpi ne, %sign3A_243, %sign3A_250 : i32
    %rem3A_252 = arith.remsi %add3A_234, %jit3A_235 : i32
    %ne3A_253 = arith.constant 0 : i32
    %ne3A_254 = arith.cmpi ne, %rem3A_252, %ne3A_253 : i32
    %and3A_255 = arith.andi %ne3A_251, %ne3A_254 : i1
    %sub3A_256 = arith.constant 1 : i32
    %sub3A_257 = arith.subi %div3A_236, %sub3A_256 : i32
    %select_n3A_258 = arith.select %and3A_255, %sub3A_257, %div3A_236 : i32
    %jit3A_259 = arith.constant 64 : i32
    %eq3A_260 = arith.constant 0 : i32
    %eq3A_261 = arith.cmpi eq, %jit3A_259, %eq3A_260 : i32
    %jit3A_262 = arith.constant 1 : i32
    %select_n3A_263 = arith.select %eq3A_261, %jit3A_262, %jit3A_259 : i32
    %rem3A_264 = arith.remsi %add3A_234, %select_n3A_263 : i32
    %ne3A_265 = arith.constant 0 : i32
    %ne3A_266 = arith.cmpi ne, %rem3A_264, %ne3A_265 : i32
    %lt3A_267 = arith.constant 0 : i32
    %lt3A_268 = arith.cmpi slt, %rem3A_264, %lt3A_267 : i32
    %lt3A_269 = arith.constant 0 : i32
    %lt3A_270 = arith.cmpi slt, %select_n3A_263, %lt3A_269 : i32
    %ne3A_271 = arith.xori %lt3A_268, %lt3A_270 : i1
    %and3A_272 = arith.andi %ne3A_271, %ne3A_266 : i1
    %add3A_273 = arith.addi %rem3A_264, %select_n3A_263 : i32
    %select_n3A_274 = arith.select %and3A_272, %add3A_273, %rem3A_264 : i32
    %dma_start3A = arith.constant 0 : i32
    %dma_start3A_275 = arith.constant 0 : i32
    %dma_start3A_276 = tpu.memref_slice %arg2[%select_n3A_258, %select_n3A_274, %dma_start3A_275] : memref<4x64x196608xf32, #tpu.memory_space<hbm>> -> memref<1x1x32768xf32, #tpu.memory_space<hbm>>
    %dma_start3A_277 = tpu.memref_squeeze %dma_start3A_276 : memref<1x1x32768xf32, #tpu.memory_space<hbm>> -> memref<32768xf32, #tpu.memory_space<hbm>>
    %dma_start3A_278 = tpu.memref_slice %arg10[%dma_start3A] : memref<3x!tpu.dma_semaphore, #tpu.memory_space<semaphore_mem>> -> memref<1x!tpu.dma_semaphore, #tpu.memory_space<semaphore_mem>>
    %dma_start3A_279 = tpu.memref_squeeze %dma_start3A_278 : memref<1x!tpu.dma_semaphore, #tpu.memory_space<semaphore_mem>> -> memref<!tpu.dma_semaphore, #tpu.memory_space<semaphore_mem>>
    %dma_start3A_280 = arith.constant 0 : i32
    %dma_start3A_281 = tpu.memref_slice %arg2[%select_n3A_258, %select_n3A_274, %dma_start3A_280] : memref<4x64x196608xf32, #tpu.memory_space<hbm>> -> memref<1x1x32768xf32, #tpu.memory_space<hbm>>
    %dma_start3A_282 = tpu.memref_squeeze %dma_start3A_281 : memref<1x1x32768xf32, #tpu.memory_space<hbm>> -> memref<32768xf32, #tpu.memory_space<hbm>>
    tpu.enqueue_dma source(%dma_start3A_282 : memref<32768xf32, #tpu.memory_space<hbm>>) target(%arg4 : memref<32768xf32, #tpu.memory_space<vmem>>) target_semaphore(%dma_start3A_279 : memref<!tpu.dma_semaphore, #tpu.memory_space<semaphore_mem>>)
    %add3A_283 = arith.constant 0 : i32
    %add3A_284 = arith.addi %mul3A_2, %add3A_283 : i32
    %jit3A_285 = arith.constant 64 : i32
    %div3A_286 = arith.divsi %add3A_284, %jit3A_285 : i32
    %sign3A_287 = arith.constant 0 : i32
    %sign3A_288 = arith.cmpi sgt, %add3A_284, %sign3A_287 : i32
    %sign3A_289 = arith.extui %sign3A_288 : i1 to i32
    %sign3A_290 = arith.constant 0 : i32
    %sign3A_291 = arith.cmpi slt, %add3A_284, %sign3A_290 : i32
    %sign3A_292 = arith.extui %sign3A_291 : i1 to i32
    %sign3A_293 = arith.subi %sign3A_289, %sign3A_292 : i32
    %sign3A_294 = arith.constant 0 : i32
    %sign3A_295 = arith.cmpi sgt, %jit3A_285, %sign3A_294 : i32
    %sign3A_296 = arith.extui %sign3A_295 : i1 to i32
    %sign3A_297 = arith.constant 0 : i32
    %sign3A_298 = arith.cmpi slt, %jit3A_285, %sign3A_297 : i32
    %sign3A_299 = arith.extui %sign3A_298 : i1 to i32
    %sign3A_300 = arith.subi %sign3A_296, %sign3A_299 : i32
    %ne3A_301 = arith.cmpi ne, %sign3A_293, %sign3A_300 : i32
    %rem3A_302 = arith.remsi %add3A_284, %jit3A_285 : i32
    %ne3A_303 = arith.constant 0 : i32
    %ne3A_304 = arith.cmpi ne, %rem3A_302, %ne3A_303 : i32
    %and3A_305 = arith.andi %ne3A_301, %ne3A_304 : i1
    %sub3A_306 = arith.constant 1 : i32
    %sub3A_307 = arith.subi %div3A_286, %sub3A_306 : i32
    %select_n3A_308 = arith.select %and3A_305, %sub3A_307, %div3A_286 : i32
    %jit3A_309 = arith.constant 64 : i32
    %eq3A_310 = arith.constant 0 : i32
    %eq3A_311 = arith.cmpi eq, %jit3A_309, %eq3A_310 : i32
    %jit3A_312 = arith.constant 1 : i32
    %select_n3A_313 = arith.select %eq3A_311, %jit3A_312, %jit3A_309 : i32
    %rem3A_314 = arith.remsi %add3A_284, %select_n3A_313 : i32
    %ne3A_315 = arith.constant 0 : i32
    %ne3A_316 = arith.cmpi ne, %rem3A_314, %ne3A_315 : i32
    %lt3A_317 = arith.constant 0 : i32
    %lt3A_318 = arith.cmpi slt, %rem3A_314, %lt3A_317 : i32
    %lt3A_319 = arith.constant 0 : i32
    %lt3A_320 = arith.cmpi slt, %select_n3A_313, %lt3A_319 : i32
    %ne3A_321 = arith.xori %lt3A_318, %lt3A_320 : i1
    %and3A_322 = arith.andi %ne3A_321, %ne3A_316 : i1
    %add3A_323 = arith.addi %rem3A_314, %select_n3A_313 : i32
    %select_n3A_324 = arith.select %and3A_322, %add3A_323, %rem3A_314 : i32
    %dma_start3A_325 = arith.constant 1 : i32
    %dma_start3A_326 = arith.constant 32768 : i32
    %dma_start3A_327 = tpu.memref_slice %arg2[%select_n3A_308, %select_n3A_324, %dma_start3A_326] : memref<4x64x196608xf32, #tpu.memory_space<hbm>> -> memref<1x1x32768xf32, #tpu.memory_space<hbm>>
    %dma_start3A_328 = tpu.memref_squeeze %dma_start3A_327 : memref<1x1x32768xf32, #tpu.memory_space<hbm>> -> memref<32768xf32, #tpu.memory_space<hbm>>
    %dma_start3A_329 = tpu.memref_slice %arg10[%dma_start3A_325] : memref<3x!tpu.dma_semaphore, #tpu.memory_space<semaphore_mem>> -> memref<1x!tpu.dma_semaphore, #tpu.memory_space<semaphore_mem>>
    %dma_start3A_330 = tpu.memref_squeeze %dma_start3A_329 : memref<1x!tpu.dma_semaphore, #tpu.memory_space<semaphore_mem>> -> memref<!tpu.dma_semaphore, #tpu.memory_space<semaphore_mem>>
    %dma_start3A_331 = arith.constant 32768 : i32
    %dma_start3A_332 = tpu.memref_slice %arg2[%select_n3A_308, %select_n3A_324, %dma_start3A_331] : memref<4x64x196608xf32, #tpu.memory_space<hbm>> -> memref<1x1x32768xf32, #tpu.memory_space<hbm>>
    %dma_start3A_333 = tpu.memref_squeeze %dma_start3A_332 : memref<1x1x32768xf32, #tpu.memory_space<hbm>> -> memref<32768xf32, #tpu.memory_space<hbm>>
    tpu.enqueue_dma source(%dma_start3A_333 : memref<32768xf32, #tpu.memory_space<hbm>>) target(%arg5 : memref<32768xf32, #tpu.memory_space<vmem>>) target_semaphore(%dma_start3A_330 : memref<!tpu.dma_semaphore, #tpu.memory_space<semaphore_mem>>)
    %scan3A = arith.constant 0 : i32
    %scan3A_334 = arith.constant 16 : i32
    %scan3A_335 = arith.addi %scan3A, %scan3A_334 : i32
    %scan3A_336 = arith.constant 1 : i32
    scf.for %scan3A_502 = %scan3A to %scan3A_335 step %scan3A_336  : i32 {
      %mul3A_503 = arith.constant 1 : i32
      %mul3A_504 = arith.muli %scan3A_502, %mul3A_503 : i32
      %add3A_505 = arith.constant 0 : i32
      %add3A_506 = arith.addi %add3A_505, %mul3A_504 : i32
      %mul3A_507 = arith.constant 3 : i32
      %mul3A_508 = arith.muli %add3A_506, %mul3A_507 : i32
      %add3A_509 = arith.constant 0 : i32
      %add3A_510 = arith.addi %mul3A_508, %add3A_509 : i32
      %add3A_511 = arith.constant 3 : i32
      %add3A_512 = arith.addi %add3A_510, %add3A_511 : i32
      %sub3A_513 = arith.constant 1 : i32
      %sub3A_514 = arith.subi %add3A_512, %sub3A_513 : i32
      %lt3A_515 = arith.constant 48 : i32
      %lt3A_516 = arith.cmpi slt, %sub3A_514, %lt3A_515 : i32
      %convert_element_type3A = arith.extui %lt3A_516 : i1 to i32
      %cond3A = arith.constant 0 : i32
      %cond3A_517 = arith.cmpi ne, %convert_element_type3A, %cond3A : i32
      scf.if %cond3A_517 {
        %add3A_1118 = arith.constant 3 : i32
        %add3A_1119 = arith.addi %add3A_510, %add3A_1118 : i32
        %sub3A_1120 = arith.constant 1 : i32
        %sub3A_1121 = arith.subi %add3A_1119, %sub3A_1120 : i32
        %jit3A_1122 = arith.constant 6 : i32
        %div3A_1123 = arith.divsi %sub3A_1121, %jit3A_1122 : i32
        %sign3A_1124 = arith.constant 0 : i32
        %sign3A_1125 = arith.cmpi sgt, %sub3A_1121, %sign3A_1124 : i32
        %sign3A_1126 = arith.extui %sign3A_1125 : i1 to i32
        %sign3A_1127 = arith.constant 0 : i32
        %sign3A_1128 = arith.cmpi slt, %sub3A_1121, %sign3A_1127 : i32
        %sign3A_1129 = arith.extui %sign3A_1128 : i1 to i32
        %sign3A_1130 = arith.subi %sign3A_1126, %sign3A_1129 : i32
        %sign3A_1131 = arith.constant 0 : i32
        %sign3A_1132 = arith.cmpi sgt, %jit3A_1122, %sign3A_1131 : i32
        %sign3A_1133 = arith.extui %sign3A_1132 : i1 to i32
        %sign3A_1134 = arith.constant 0 : i32
        %sign3A_1135 = arith.cmpi slt, %jit3A_1122, %sign3A_1134 : i32
        %sign3A_1136 = arith.extui %sign3A_1135 : i1 to i32
        %sign3A_1137 = arith.subi %sign3A_1133, %sign3A_1136 : i32
        %ne3A_1138 = arith.cmpi ne, %sign3A_1130, %sign3A_1137 : i32
        %rem3A_1139 = arith.remsi %sub3A_1121, %jit3A_1122 : i32
        %ne3A_1140 = arith.constant 0 : i32
        %ne3A_1141 = arith.cmpi ne, %rem3A_1139, %ne3A_1140 : i32
        %and3A_1142 = arith.andi %ne3A_1138, %ne3A_1141 : i1
        %sub3A_1143 = arith.constant 1 : i32
        %sub3A_1144 = arith.subi %div3A_1123, %sub3A_1143 : i32
        %select_n3A_1145 = arith.select %and3A_1142, %sub3A_1144, %div3A_1123 : i32
        %add3A_1146 = arith.addi %mul3A_2, %select_n3A_1145 : i32
        %jit3A_1147 = arith.constant 6 : i32
        %eq3A_1148 = arith.constant 0 : i32
        %eq3A_1149 = arith.cmpi eq, %jit3A_1147, %eq3A_1148 : i32
        %jit3A_1150 = arith.constant 1 : i32
        %select_n3A_1151 = arith.select %eq3A_1149, %jit3A_1150, %jit3A_1147 : i32
        %rem3A_1152 = arith.remsi %sub3A_1121, %select_n3A_1151 : i32
        %ne3A_1153 = arith.constant 0 : i32
        %ne3A_1154 = arith.cmpi ne, %rem3A_1152, %ne3A_1153 : i32
        %lt3A_1155 = arith.constant 0 : i32
        %lt3A_1156 = arith.cmpi slt, %rem3A_1152, %lt3A_1155 : i32
        %lt3A_1157 = arith.constant 0 : i32
        %lt3A_1158 = arith.cmpi slt, %select_n3A_1151, %lt3A_1157 : i32
        %ne3A_1159 = arith.xori %lt3A_1156, %lt3A_1158 : i1
        %and3A_1160 = arith.andi %ne3A_1159, %ne3A_1154 : i1
        %add3A_1161 = arith.addi %rem3A_1152, %select_n3A_1151 : i32
        %select_n3A_1162 = arith.select %and3A_1160, %add3A_1161, %rem3A_1152 : i32
        %jit3A_1163 = arith.constant 64 : i32
        %div3A_1164 = arith.divsi %add3A_1146, %jit3A_1163 : i32
        %sign3A_1165 = arith.constant 0 : i32
        %sign3A_1166 = arith.cmpi sgt, %add3A_1146, %sign3A_1165 : i32
        %sign3A_1167 = arith.extui %sign3A_1166 : i1 to i32
        %sign3A_1168 = arith.constant 0 : i32
        %sign3A_1169 = arith.cmpi slt, %add3A_1146, %sign3A_1168 : i32
        %sign3A_1170 = arith.extui %sign3A_1169 : i1 to i32
        %sign3A_1171 = arith.subi %sign3A_1167, %sign3A_1170 : i32
        %sign3A_1172 = arith.constant 0 : i32
        %sign3A_1173 = arith.cmpi sgt, %jit3A_1163, %sign3A_1172 : i32
        %sign3A_1174 = arith.extui %sign3A_1173 : i1 to i32
        %sign3A_1175 = arith.constant 0 : i32
        %sign3A_1176 = arith.cmpi slt, %jit3A_1163, %sign3A_1175 : i32
        %sign3A_1177 = arith.extui %sign3A_1176 : i1 to i32
        %sign3A_1178 = arith.subi %sign3A_1174, %sign3A_1177 : i32
        %ne3A_1179 = arith.cmpi ne, %sign3A_1171, %sign3A_1178 : i32
        %rem3A_1180 = arith.remsi %add3A_1146, %jit3A_1163 : i32
        %ne3A_1181 = arith.constant 0 : i32
        %ne3A_1182 = arith.cmpi ne, %rem3A_1180, %ne3A_1181 : i32
        %and3A_1183 = arith.andi %ne3A_1179, %ne3A_1182 : i1
        %sub3A_1184 = arith.constant 1 : i32
        %sub3A_1185 = arith.subi %div3A_1164, %sub3A_1184 : i32
        %select_n3A_1186 = arith.select %and3A_1183, %sub3A_1185, %div3A_1164 : i32
        %jit3A_1187 = arith.constant 64 : i32
        %eq3A_1188 = arith.constant 0 : i32
        %eq3A_1189 = arith.cmpi eq, %jit3A_1187, %eq3A_1188 : i32
        %jit3A_1190 = arith.constant 1 : i32
        %select_n3A_1191 = arith.select %eq3A_1189, %jit3A_1190, %jit3A_1187 : i32
        %rem3A_1192 = arith.remsi %add3A_1146, %select_n3A_1191 : i32
        %ne3A_1193 = arith.constant 0 : i32
        %ne3A_1194 = arith.cmpi ne, %rem3A_1192, %ne3A_1193 : i32
        %lt3A_1195 = arith.constant 0 : i32
        %lt3A_1196 = arith.cmpi slt, %rem3A_1192, %lt3A_1195 : i32
        %lt3A_1197 = arith.constant 0 : i32
        %lt3A_1198 = arith.cmpi slt, %select_n3A_1191, %lt3A_1197 : i32
        %ne3A_1199 = arith.xori %lt3A_1196, %lt3A_1198 : i1
        %and3A_1200 = arith.andi %ne3A_1199, %ne3A_1194 : i1
        %add3A_1201 = arith.addi %rem3A_1192, %select_n3A_1191 : i32
        %select_n3A_1202 = arith.select %and3A_1200, %add3A_1201, %rem3A_1192 : i32
        %mul3A_1203 = arith.constant 32768 : i32
        %mul3A_1204 = arith.muli %select_n3A_1162, %mul3A_1203 : i32
        %dma_start3A_1205 = arith.constant 2 : i32
        %dma_start3A_1206 = tpu.memref_slice %arg2[%select_n3A_1186, %select_n3A_1202, %mul3A_1204] : memref<4x64x196608xf32, #tpu.memory_space<hbm>> -> memref<1x1x32768xf32, #tpu.memory_space<hbm>>
        %dma_start3A_1207 = tpu.memref_squeeze %dma_start3A_1206 : memref<1x1x32768xf32, #tpu.memory_space<hbm>> -> memref<32768xf32, #tpu.memory_space<hbm>>
        %dma_start3A_1208 = tpu.memref_slice %arg10[%dma_start3A_1205] : memref<3x!tpu.dma_semaphore, #tpu.memory_space<semaphore_mem>> -> memref<1x!tpu.dma_semaphore, #tpu.memory_space<semaphore_mem>>
        %dma_start3A_1209 = tpu.memref_squeeze %dma_start3A_1208 : memref<1x!tpu.dma_semaphore, #tpu.memory_space<semaphore_mem>> -> memref<!tpu.dma_semaphore, #tpu.memory_space<semaphore_mem>>
        %dma_start3A_1210 = tpu.memref_slice %arg2[%select_n3A_1186, %select_n3A_1202, %mul3A_1204] : memref<4x64x196608xf32, #tpu.memory_space<hbm>> -> memref<1x1x32768xf32, #tpu.memory_space<hbm>>
        %dma_start3A_1211 = tpu.memref_squeeze %dma_start3A_1210 : memref<1x1x32768xf32, #tpu.memory_space<hbm>> -> memref<32768xf32, #tpu.memory_space<hbm>>
        tpu.enqueue_dma source(%dma_start3A_1211 : memref<32768xf32, #tpu.memory_space<hbm>>) target(%arg6 : memref<32768xf32, #tpu.memory_space<vmem>>) target_semaphore(%dma_start3A_1209 : memref<!tpu.dma_semaphore, #tpu.memory_space<semaphore_mem>>)
      } else {
      }
      %jit3A_518 = arith.constant 6 : i32
      %div3A_519 = arith.divsi %add3A_510, %jit3A_518 : i32
      %sign3A_520 = arith.constant 0 : i32
      %sign3A_521 = arith.cmpi sgt, %add3A_510, %sign3A_520 : i32
      %sign3A_522 = arith.extui %sign3A_521 : i1 to i32
      %sign3A_523 = arith.constant 0 : i32
      %sign3A_524 = arith.cmpi slt, %add3A_510, %sign3A_523 : i32
      %sign3A_525 = arith.extui %sign3A_524 : i1 to i32
      %sign3A_526 = arith.subi %sign3A_522, %sign3A_525 : i32
      %sign3A_527 = arith.constant 0 : i32
      %sign3A_528 = arith.cmpi sgt, %jit3A_518, %sign3A_527 : i32
      %sign3A_529 = arith.extui %sign3A_528 : i1 to i32
      %sign3A_530 = arith.constant 0 : i32
      %sign3A_531 = arith.cmpi slt, %jit3A_518, %sign3A_530 : i32
      %sign3A_532 = arith.extui %sign3A_531 : i1 to i32
      %sign3A_533 = arith.subi %sign3A_529, %sign3A_532 : i32
      %ne3A_534 = arith.cmpi ne, %sign3A_526, %sign3A_533 : i32
      %rem3A_535 = arith.remsi %add3A_510, %jit3A_518 : i32
      %ne3A_536 = arith.constant 0 : i32
      %ne3A_537 = arith.cmpi ne, %rem3A_535, %ne3A_536 : i32
      %and3A_538 = arith.andi %ne3A_534, %ne3A_537 : i1
      %sub3A_539 = arith.constant 1 : i32
      %sub3A_540 = arith.subi %div3A_519, %sub3A_539 : i32
      %select_n3A_541 = arith.select %and3A_538, %sub3A_540, %div3A_519 : i32
      %add3A_542 = arith.addi %mul3A_2, %select_n3A_541 : i32
      %jit3A_543 = arith.constant 6 : i32
      %eq3A_544 = arith.constant 0 : i32
      %eq3A_545 = arith.cmpi eq, %jit3A_543, %eq3A_544 : i32
      %jit3A_546 = arith.constant 1 : i32
      %select_n3A_547 = arith.select %eq3A_545, %jit3A_546, %jit3A_543 : i32
      %rem3A_548 = arith.remsi %add3A_510, %select_n3A_547 : i32
      %ne3A_549 = arith.constant 0 : i32
      %ne3A_550 = arith.cmpi ne, %rem3A_548, %ne3A_549 : i32
      %lt3A_551 = arith.constant 0 : i32
      %lt3A_552 = arith.cmpi slt, %rem3A_548, %lt3A_551 : i32
      %lt3A_553 = arith.constant 0 : i32
      %lt3A_554 = arith.cmpi slt, %select_n3A_547, %lt3A_553 : i32
      %ne3A_555 = arith.xori %lt3A_552, %lt3A_554 : i1
      %and3A_556 = arith.andi %ne3A_555, %ne3A_550 : i1
      %add3A_557 = arith.addi %rem3A_548, %select_n3A_547 : i32
      %select_n3A_558 = arith.select %and3A_556, %add3A_557, %rem3A_548 : i32
      %jit3A_559 = arith.constant 64 : i32
      %div3A_560 = arith.divsi %add3A_542, %jit3A_559 : i32
      %sign3A_561 = arith.constant 0 : i32
      %sign3A_562 = arith.cmpi sgt, %add3A_542, %sign3A_561 : i32
      %sign3A_563 = arith.extui %sign3A_562 : i1 to i32
      %sign3A_564 = arith.constant 0 : i32
      %sign3A_565 = arith.cmpi slt, %add3A_542, %sign3A_564 : i32
      %sign3A_566 = arith.extui %sign3A_565 : i1 to i32
      %sign3A_567 = arith.subi %sign3A_563, %sign3A_566 : i32
      %sign3A_568 = arith.constant 0 : i32
      %sign3A_569 = arith.cmpi sgt, %jit3A_559, %sign3A_568 : i32
      %sign3A_570 = arith.extui %sign3A_569 : i1 to i32
      %sign3A_571 = arith.constant 0 : i32
      %sign3A_572 = arith.cmpi slt, %jit3A_559, %sign3A_571 : i32
      %sign3A_573 = arith.extui %sign3A_572 : i1 to i32
      %sign3A_574 = arith.subi %sign3A_570, %sign3A_573 : i32
      %ne3A_575 = arith.cmpi ne, %sign3A_567, %sign3A_574 : i32
      %rem3A_576 = arith.remsi %add3A_542, %jit3A_559 : i32
      %ne3A_577 = arith.constant 0 : i32
      %ne3A_578 = arith.cmpi ne, %rem3A_576, %ne3A_577 : i32
      %and3A_579 = arith.andi %ne3A_575, %ne3A_578 : i1
      %sub3A_580 = arith.constant 1 : i32
      %sub3A_581 = arith.subi %div3A_560, %sub3A_580 : i32
      %select_n3A_582 = arith.select %and3A_579, %sub3A_581, %div3A_560 : i32
      %jit3A_583 = arith.constant 64 : i32
      %eq3A_584 = arith.constant 0 : i32
      %eq3A_585 = arith.cmpi eq, %jit3A_583, %eq3A_584 : i32
      %jit3A_586 = arith.constant 1 : i32
      %select_n3A_587 = arith.select %eq3A_585, %jit3A_586, %jit3A_583 : i32
      %rem3A_588 = arith.remsi %add3A_542, %select_n3A_587 : i32
      %ne3A_589 = arith.constant 0 : i32
      %ne3A_590 = arith.cmpi ne, %rem3A_588, %ne3A_589 : i32
      %lt3A_591 = arith.constant 0 : i32
      %lt3A_592 = arith.cmpi slt, %rem3A_588, %lt3A_591 : i32
      %lt3A_593 = arith.constant 0 : i32
      %lt3A_594 = arith.cmpi slt, %select_n3A_587, %lt3A_593 : i32
      %ne3A_595 = arith.xori %lt3A_592, %lt3A_594 : i1
      %and3A_596 = arith.andi %ne3A_595, %ne3A_590 : i1
      %add3A_597 = arith.addi %rem3A_588, %select_n3A_587 : i32
      %select_n3A_598 = arith.select %and3A_596, %add3A_597, %rem3A_588 : i32
      %mul3A_599 = arith.constant 32768 : i32
      %mul3A_600 = arith.muli %select_n3A_558, %mul3A_599 : i32
      %dma_wait3A_601 = arith.constant 0 : i32
      %dma_wait3A_602 = tpu.memref_slice %arg2[%select_n3A_582, %select_n3A_598, %mul3A_600] : memref<4x64x196608xf32, #tpu.memory_space<hbm>> -> memref<1x1x32768xf32, #tpu.memory_space<hbm>>
      %dma_wait3A_603 = tpu.memref_squeeze %dma_wait3A_602 : memref<1x1x32768xf32, #tpu.memory_space<hbm>> -> memref<32768xf32, #tpu.memory_space<hbm>>
      %dma_wait3A_604 = tpu.memref_slice %arg10[%dma_wait3A_601] : memref<3x!tpu.dma_semaphore, #tpu.memory_space<semaphore_mem>> -> memref<1x!tpu.dma_semaphore, #tpu.memory_space<semaphore_mem>>
      %dma_wait3A_605 = tpu.memref_squeeze %dma_wait3A_604 : memref<1x!tpu.dma_semaphore, #tpu.memory_space<semaphore_mem>> -> memref<!tpu.dma_semaphore, #tpu.memory_space<semaphore_mem>>
      %dma_wait3A_606 = tpu.memref_slice %arg2[%select_n3A_582, %select_n3A_598, %mul3A_600] : memref<4x64x196608xf32, #tpu.memory_space<hbm>> -> memref<1x1x32768xf32, #tpu.memory_space<hbm>>
      %dma_wait3A_607 = tpu.memref_squeeze %dma_wait3A_606 : memref<1x1x32768xf32, #tpu.memory_space<hbm>> -> memref<32768xf32, #tpu.memory_space<hbm>>
      tpu.wait_dma2 semaphore(%dma_wait3A_605 : memref<!tpu.dma_semaphore, #tpu.memory_space<semaphore_mem>>) src(%dma_wait3A_607 : memref<32768xf32, #tpu.memory_space<hbm>>) dst(%arg4 : memref<32768xf32, #tpu.memory_space<vmem>>)
      %ge3A = arith.constant 3 : i32
      %ge3A_608 = arith.cmpi sge, %add3A_510, %ge3A : i32
      %convert_element_type3A_609 = arith.extui %ge3A_608 : i1 to i32
      %cond3A_610 = arith.constant 0 : i32
      %cond3A_611 = arith.cmpi ne, %convert_element_type3A_609, %cond3A_610 : i32
      scf.if %cond3A_611 {
        %sub3A_1118 = arith.constant 3 : i32
        %sub3A_1119 = arith.subi %add3A_510, %sub3A_1118 : i32
        %jit3A_1120 = arith.constant 6 : i32
        %div3A_1121 = arith.divsi %sub3A_1119, %jit3A_1120 : i32
        %sign3A_1122 = arith.constant 0 : i32
        %sign3A_1123 = arith.cmpi sgt, %sub3A_1119, %sign3A_1122 : i32
        %sign3A_1124 = arith.extui %sign3A_1123 : i1 to i32
        %sign3A_1125 = arith.constant 0 : i32
        %sign3A_1126 = arith.cmpi slt, %sub3A_1119, %sign3A_1125 : i32
        %sign3A_1127 = arith.extui %sign3A_1126 : i1 to i32
        %sign3A_1128 = arith.subi %sign3A_1124, %sign3A_1127 : i32
        %sign3A_1129 = arith.constant 0 : i32
        %sign3A_1130 = arith.cmpi sgt, %jit3A_1120, %sign3A_1129 : i32
        %sign3A_1131 = arith.extui %sign3A_1130 : i1 to i32
        %sign3A_1132 = arith.constant 0 : i32
        %sign3A_1133 = arith.cmpi slt, %jit3A_1120, %sign3A_1132 : i32
        %sign3A_1134 = arith.extui %sign3A_1133 : i1 to i32
        %sign3A_1135 = arith.subi %sign3A_1131, %sign3A_1134 : i32
        %ne3A_1136 = arith.cmpi ne, %sign3A_1128, %sign3A_1135 : i32
        %rem3A_1137 = arith.remsi %sub3A_1119, %jit3A_1120 : i32
        %ne3A_1138 = arith.constant 0 : i32
        %ne3A_1139 = arith.cmpi ne, %rem3A_1137, %ne3A_1138 : i32
        %and3A_1140 = arith.andi %ne3A_1136, %ne3A_1139 : i1
        %sub3A_1141 = arith.constant 1 : i32
        %sub3A_1142 = arith.subi %div3A_1121, %sub3A_1141 : i32
        %select_n3A_1143 = arith.select %and3A_1140, %sub3A_1142, %div3A_1121 : i32
        %add3A_1144 = arith.addi %mul3A_2, %select_n3A_1143 : i32
        %jit3A_1145 = arith.constant 6 : i32
        %eq3A_1146 = arith.constant 0 : i32
        %eq3A_1147 = arith.cmpi eq, %jit3A_1145, %eq3A_1146 : i32
        %jit3A_1148 = arith.constant 1 : i32
        %select_n3A_1149 = arith.select %eq3A_1147, %jit3A_1148, %jit3A_1145 : i32
        %rem3A_1150 = arith.remsi %sub3A_1119, %select_n3A_1149 : i32
        %ne3A_1151 = arith.constant 0 : i32
        %ne3A_1152 = arith.cmpi ne, %rem3A_1150, %ne3A_1151 : i32
        %lt3A_1153 = arith.constant 0 : i32
        %lt3A_1154 = arith.cmpi slt, %rem3A_1150, %lt3A_1153 : i32
        %lt3A_1155 = arith.constant 0 : i32
        %lt3A_1156 = arith.cmpi slt, %select_n3A_1149, %lt3A_1155 : i32
        %ne3A_1157 = arith.xori %lt3A_1154, %lt3A_1156 : i1
        %and3A_1158 = arith.andi %ne3A_1157, %ne3A_1152 : i1
        %add3A_1159 = arith.addi %rem3A_1150, %select_n3A_1149 : i32
        %select_n3A_1160 = arith.select %and3A_1158, %add3A_1159, %rem3A_1150 : i32
        %jit3A_1161 = arith.constant 64 : i32
        %div3A_1162 = arith.divsi %add3A_1144, %jit3A_1161 : i32
        %sign3A_1163 = arith.constant 0 : i32
        %sign3A_1164 = arith.cmpi sgt, %add3A_1144, %sign3A_1163 : i32
        %sign3A_1165 = arith.extui %sign3A_1164 : i1 to i32
        %sign3A_1166 = arith.constant 0 : i32
        %sign3A_1167 = arith.cmpi slt, %add3A_1144, %sign3A_1166 : i32
        %sign3A_1168 = arith.extui %sign3A_1167 : i1 to i32
        %sign3A_1169 = arith.subi %sign3A_1165, %sign3A_1168 : i32
        %sign3A_1170 = arith.constant 0 : i32
        %sign3A_1171 = arith.cmpi sgt, %jit3A_1161, %sign3A_1170 : i32
        %sign3A_1172 = arith.extui %sign3A_1171 : i1 to i32
        %sign3A_1173 = arith.constant 0 : i32
        %sign3A_1174 = arith.cmpi slt, %jit3A_1161, %sign3A_1173 : i32
        %sign3A_1175 = arith.extui %sign3A_1174 : i1 to i32
        %sign3A_1176 = arith.subi %sign3A_1172, %sign3A_1175 : i32
        %ne3A_1177 = arith.cmpi ne, %sign3A_1169, %sign3A_1176 : i32
        %rem3A_1178 = arith.remsi %add3A_1144, %jit3A_1161 : i32
        %ne3A_1179 = arith.constant 0 : i32
        %ne3A_1180 = arith.cmpi ne, %rem3A_1178, %ne3A_1179 : i32
        %and3A_1181 = arith.andi %ne3A_1177, %ne3A_1180 : i1
        %sub3A_1182 = arith.constant 1 : i32
        %sub3A_1183 = arith.subi %div3A_1162, %sub3A_1182 : i32
        %select_n3A_1184 = arith.select %and3A_1181, %sub3A_1183, %div3A_1162 : i32
        %jit3A_1185 = arith.constant 64 : i32
        %eq3A_1186 = arith.constant 0 : i32
        %eq3A_1187 = arith.cmpi eq, %jit3A_1185, %eq3A_1186 : i32
        %jit3A_1188 = arith.constant 1 : i32
        %select_n3A_1189 = arith.select %eq3A_1187, %jit3A_1188, %jit3A_1185 : i32
        %rem3A_1190 = arith.remsi %add3A_1144, %select_n3A_1189 : i32
        %ne3A_1191 = arith.constant 0 : i32
        %ne3A_1192 = arith.cmpi ne, %rem3A_1190, %ne3A_1191 : i32
        %lt3A_1193 = arith.constant 0 : i32
        %lt3A_1194 = arith.cmpi slt, %rem3A_1190, %lt3A_1193 : i32
        %lt3A_1195 = arith.constant 0 : i32
        %lt3A_1196 = arith.cmpi slt, %select_n3A_1189, %lt3A_1195 : i32
        %ne3A_1197 = arith.xori %lt3A_1194, %lt3A_1196 : i1
        %and3A_1198 = arith.andi %ne3A_1197, %ne3A_1192 : i1
        %add3A_1199 = arith.addi %rem3A_1190, %select_n3A_1189 : i32
        %select_n3A_1200 = arith.select %and3A_1198, %add3A_1199, %rem3A_1190 : i32
        %mul3A_1201 = arith.constant 8192 : i32
        %mul3A_1202 = arith.muli %select_n3A_1160, %mul3A_1201 : i32
        %dma_wait3A_1203 = arith.constant 0 : i32
        %dma_wait3A_1204 = arith.constant 0 : i32
        %dma_wait3A_1205 = tpu.memref_slice %arg7[%dma_wait3A_1204] : memref<8208xf32, #tpu.memory_space<vmem>> -> memref<8192xf32, #tpu.memory_space<vmem>>
        %dma_wait3A_1206 = tpu.memref_slice %arg3[%select_n3A_1184, %select_n3A_1200, %mul3A_1202] : memref<4x64x49152xf32, #tpu.memory_space<hbm>> -> memref<1x1x8192xf32, #tpu.memory_space<hbm>>
        %dma_wait3A_1207 = tpu.memref_squeeze %dma_wait3A_1206 : memref<1x1x8192xf32, #tpu.memory_space<hbm>> -> memref<8192xf32, #tpu.memory_space<hbm>>
        %dma_wait3A_1208 = tpu.memref_slice %arg11[%dma_wait3A_1203] : memref<3x!tpu.dma_semaphore, #tpu.memory_space<semaphore_mem>> -> memref<1x!tpu.dma_semaphore, #tpu.memory_space<semaphore_mem>>
        %dma_wait3A_1209 = tpu.memref_squeeze %dma_wait3A_1208 : memref<1x!tpu.dma_semaphore, #tpu.memory_space<semaphore_mem>> -> memref<!tpu.dma_semaphore, #tpu.memory_space<semaphore_mem>>
        %dma_wait3A_1210 = tpu.memref_slice %arg3[%select_n3A_1184, %select_n3A_1200, %mul3A_1202] : memref<4x64x49152xf32, #tpu.memory_space<hbm>> -> memref<1x1x8192xf32, #tpu.memory_space<hbm>>
        %dma_wait3A_1211 = tpu.memref_squeeze %dma_wait3A_1210 : memref<1x1x8192xf32, #tpu.memory_space<hbm>> -> memref<8192xf32, #tpu.memory_space<hbm>>
        %dma_wait3A_1212 = arith.constant 0 : i32
        %dma_wait3A_1213 = tpu.memref_slice %arg7[%dma_wait3A_1212] : memref<8208xf32, #tpu.memory_space<vmem>> -> memref<8192xf32, #tpu.memory_space<vmem>>
        tpu.wait_dma2 semaphore(%dma_wait3A_1209 : memref<!tpu.dma_semaphore, #tpu.memory_space<semaphore_mem>>) src(%dma_wait3A_1213 : memref<8192xf32, #tpu.memory_space<vmem>>) dst(%dma_wait3A_1211 : memref<8192xf32, #tpu.memory_space<hbm>>)
      } else {
      }
      %parallel_loop3A = arith.constant 0 : i32
      %parallel_loop3A_612 = arith.constant 512 : i32
      %parallel_loop3A_613 = arith.constant 1 : i32
      scf.for %parallel_loop3A_1118 = %parallel_loop3A to %parallel_loop3A_612 step %parallel_loop3A_613  : i32 {
        %parallel_loop3A_1119 = arith.constant 64 : i32
        %parallel_loop3A_1120 = arith.muli %parallel_loop3A_1118, %parallel_loop3A_1119 : i32
        %parallel_loop3A_1121 = vector.broadcast %parallel_loop3A_1120 : i32 to vector<16xi32>
        %parallel_loop3A_1122 = arith.addi %parallel_loop3A_1121, %add3A_52 : vector<16xi32>
        %parallel_loop3A_1123 = tpu.vector_load_idx %arg4[%parallel_loop3A_1122] : memref<32768xf32, #tpu.memory_space<vmem>>[vector<16xi32>], vector<16xf32>,
        %parallel_loop3A_1124 = vector.broadcast %parallel_loop3A_1120 : i32 to vector<16xi32>
        %parallel_loop3A_1125 = arith.addi %parallel_loop3A_1124, %add3A_112 : vector<16xi32>
        %parallel_loop3A_1126 = tpu.vector_load_idx %arg4[%parallel_loop3A_1125] : memref<32768xf32, #tpu.memory_space<vmem>>[vector<16xi32>], vector<16xf32>,
        %parallel_loop3A_1127 = vector.broadcast %parallel_loop3A_1120 : i32 to vector<16xi32>
        %parallel_loop3A_1128 = arith.addi %parallel_loop3A_1127, %add3A_172 : vector<16xi32>
        %parallel_loop3A_1129 = tpu.vector_load_idx %arg4[%parallel_loop3A_1128] : memref<32768xf32, #tpu.memory_space<vmem>>[vector<16xi32>], vector<16xf32>,
        %parallel_loop3A_1130 = vector.broadcast %parallel_loop3A_1120 : i32 to vector<16xi32>
        %parallel_loop3A_1131 = arith.addi %parallel_loop3A_1130, %add3A_232 : vector<16xi32>
        %parallel_loop3A_1132 = tpu.vector_load_idx %arg4[%parallel_loop3A_1131] : memref<32768xf32, #tpu.memory_space<vmem>>[vector<16xi32>], vector<16xf32>,
        %parallel_loop3A_1133 = arith.maximumf %parallel_loop3A_1123, %parallel_loop3A_1126 : vector<16xf32>
        %parallel_loop3A_1134 = arith.maximumf %parallel_loop3A_1129, %parallel_loop3A_1132 : vector<16xf32>
        %parallel_loop3A_1135 = arith.maximumf %parallel_loop3A_1133, %parallel_loop3A_1134 : vector<16xf32>
        %parallel_loop3A_1136 = arith.constant 16 : i32
        %parallel_loop3A_1137 = arith.muli %parallel_loop3A_1118, %parallel_loop3A_1136 : i32
        %parallel_loop3A_1138 = arith.index_cast %parallel_loop3A_1137 : i32 to index
        %parallel_loop3A_1139 = tpu.vector_load %arg7[%parallel_loop3A_1138] {strides = array<i32>} : memref<8208xf32, #tpu.memory_space<vmem>>, vector<16xf32>,
        tpu.vector_store %arg7[%parallel_loop3A_1138], %parallel_loop3A_1135 {strides = array<i32>} : memref<8208xf32, #tpu.memory_space<vmem>>, vector<16xf32>,
      } {sc.loop_unroll_factor = 8 : i64, sc.parallel_access}
      %jit3A_614 = arith.constant 6 : i32
      %div3A_615 = arith.divsi %add3A_510, %jit3A_614 : i32
      %sign3A_616 = arith.constant 0 : i32
      %sign3A_617 = arith.cmpi sgt, %add3A_510, %sign3A_616 : i32
      %sign3A_618 = arith.extui %sign3A_617 : i1 to i32
      %sign3A_619 = arith.constant 0 : i32
      %sign3A_620 = arith.cmpi slt, %add3A_510, %sign3A_619 : i32
      %sign3A_621 = arith.extui %sign3A_620 : i1 to i32
      %sign3A_622 = arith.subi %sign3A_618, %sign3A_621 : i32
      %sign3A_623 = arith.constant 0 : i32
      %sign3A_624 = arith.cmpi sgt, %jit3A_614, %sign3A_623 : i32
      %sign3A_625 = arith.extui %sign3A_624 : i1 to i32
      %sign3A_626 = arith.constant 0 : i32
      %sign3A_627 = arith.cmpi slt, %jit3A_614, %sign3A_626 : i32
      %sign3A_628 = arith.extui %sign3A_627 : i1 to i32
      %sign3A_629 = arith.subi %sign3A_625, %sign3A_628 : i32
      %ne3A_630 = arith.cmpi ne, %sign3A_622, %sign3A_629 : i32
      %rem3A_631 = arith.remsi %add3A_510, %jit3A_614 : i32
      %ne3A_632 = arith.constant 0 : i32
      %ne3A_633 = arith.cmpi ne, %rem3A_631, %ne3A_632 : i32
      %and3A_634 = arith.andi %ne3A_630, %ne3A_633 : i1
      %sub3A_635 = arith.constant 1 : i32
      %sub3A_636 = arith.subi %div3A_615, %sub3A_635 : i32
      %select_n3A_637 = arith.select %and3A_634, %sub3A_636, %div3A_615 : i32
      %add3A_638 = arith.addi %mul3A_2, %select_n3A_637 : i32
      %jit3A_639 = arith.constant 6 : i32
      %eq3A_640 = arith.constant 0 : i32
      %eq3A_641 = arith.cmpi eq, %jit3A_639, %eq3A_640 : i32
      %jit3A_642 = arith.constant 1 : i32
      %select_n3A_643 = arith.select %eq3A_641, %jit3A_642, %jit3A_639 : i32
      %rem3A_644 = arith.remsi %add3A_510, %select_n3A_643 : i32
      %ne3A_645 = arith.constant 0 : i32
      %ne3A_646 = arith.cmpi ne, %rem3A_644, %ne3A_645 : i32
      %lt3A_647 = arith.constant 0 : i32
      %lt3A_648 = arith.cmpi slt, %rem3A_644, %lt3A_647 : i32
      %lt3A_649 = arith.constant 0 : i32
      %lt3A_650 = arith.cmpi slt, %select_n3A_643, %lt3A_649 : i32
      %ne3A_651 = arith.xori %lt3A_648, %lt3A_650 : i1
      %and3A_652 = arith.andi %ne3A_651, %ne3A_646 : i1
      %add3A_653 = arith.addi %rem3A_644, %select_n3A_643 : i32
      %select_n3A_654 = arith.select %and3A_652, %add3A_653, %rem3A_644 : i32
      %jit3A_655 = arith.constant 64 : i32
      %div3A_656 = arith.divsi %add3A_638, %jit3A_655 : i32
      %sign3A_657 = arith.constant 0 : i32
      %sign3A_658 = arith.cmpi sgt, %add3A_638, %sign3A_657 : i32
      %sign3A_659 = arith.extui %sign3A_658 : i1 to i32
      %sign3A_660 = arith.constant 0 : i32
      %sign3A_661 = arith.cmpi slt, %add3A_638, %sign3A_660 : i32
      %sign3A_662 = arith.extui %sign3A_661 : i1 to i32
      %sign3A_663 = arith.subi %sign3A_659, %sign3A_662 : i32
      %sign3A_664 = arith.constant 0 : i32
      %sign3A_665 = arith.cmpi sgt, %jit3A_655, %sign3A_664 : i32
      %sign3A_666 = arith.extui %sign3A_665 : i1 to i32
      %sign3A_667 = arith.constant 0 : i32
      %sign3A_668 = arith.cmpi slt, %jit3A_655, %sign3A_667 : i32
      %sign3A_669 = arith.extui %sign3A_668 : i1 to i32
      %sign3A_670 = arith.subi %sign3A_666, %sign3A_669 : i32
      %ne3A_671 = arith.cmpi ne, %sign3A_663, %sign3A_670 : i32
      %rem3A_672 = arith.remsi %add3A_638, %jit3A_655 : i32
      %ne3A_673 = arith.constant 0 : i32
      %ne3A_674 = arith.cmpi ne, %rem3A_672, %ne3A_673 : i32
      %and3A_675 = arith.andi %ne3A_671, %ne3A_674 : i1
      %sub3A_676 = arith.constant 1 : i32
      %sub3A_677 = arith.subi %div3A_656, %sub3A_676 : i32
      %select_n3A_678 = arith.select %and3A_675, %sub3A_677, %div3A_656 : i32
      %jit3A_679 = arith.constant 64 : i32
      %eq3A_680 = arith.constant 0 : i32
      %eq3A_681 = arith.cmpi eq, %jit3A_679, %eq3A_680 : i32
      %jit3A_682 = arith.constant 1 : i32
      %select_n3A_683 = arith.select %eq3A_681, %jit3A_682, %jit3A_679 : i32
      %rem3A_684 = arith.remsi %add3A_638, %select_n3A_683 : i32
      %ne3A_685 = arith.constant 0 : i32
      %ne3A_686 = arith.cmpi ne, %rem3A_684, %ne3A_685 : i32
      %lt3A_687 = arith.constant 0 : i32
      %lt3A_688 = arith.cmpi slt, %rem3A_684, %lt3A_687 : i32
      %lt3A_689 = arith.constant 0 : i32
      %lt3A_690 = arith.cmpi slt, %select_n3A_683, %lt3A_689 : i32
      %ne3A_691 = arith.xori %lt3A_688, %lt3A_690 : i1
      %and3A_692 = arith.andi %ne3A_691, %ne3A_686 : i1
      %add3A_693 = arith.addi %rem3A_684, %select_n3A_683 : i32
      %select_n3A_694 = arith.select %and3A_692, %add3A_693, %rem3A_684 : i32
      %mul3A_695 = arith.constant 8192 : i32
      %mul3A_696 = arith.muli %select_n3A_654, %mul3A_695 : i32
      %dma_start3A_697 = arith.constant 0 : i32
      %dma_start3A_698 = arith.constant 0 : i32
      %dma_start3A_699 = tpu.memref_slice %arg7[%dma_start3A_698] : memref<8208xf32, #tpu.memory_space<vmem>> -> memref<8192xf32, #tpu.memory_space<vmem>>
      %dma_start3A_700 = tpu.memref_slice %arg3[%select_n3A_678, %select_n3A_694, %mul3A_696] : memref<4x64x49152xf32, #tpu.memory_space<hbm>> -> memref<1x1x8192xf32, #tpu.memory_space<hbm>>
      %dma_start3A_701 = tpu.memref_squeeze %dma_start3A_700 : memref<1x1x8192xf32, #tpu.memory_space<hbm>> -> memref<8192xf32, #tpu.memory_space<hbm>>
      %dma_start3A_702 = tpu.memref_slice %arg11[%dma_start3A_697] : memref<3x!tpu.dma_semaphore, #tpu.memory_space<semaphore_mem>> -> memref<1x!tpu.dma_semaphore, #tpu.memory_space<semaphore_mem>>
      %dma_start3A_703 = tpu.memref_squeeze %dma_start3A_702 : memref<1x!tpu.dma_semaphore, #tpu.memory_space<semaphore_mem>> -> memref<!tpu.dma_semaphore, #tpu.memory_space<semaphore_mem>>
      %dma_start3A_704 = tpu.memref_slice %arg3[%select_n3A_678, %select_n3A_694, %mul3A_696] : memref<4x64x49152xf32, #tpu.memory_space<hbm>> -> memref<1x1x8192xf32, #tpu.memory_space<hbm>>
      %dma_start3A_705 = tpu.memref_squeeze %dma_start3A_704 : memref<1x1x8192xf32, #tpu.memory_space<hbm>> -> memref<8192xf32, #tpu.memory_space<hbm>>
      %dma_start3A_706 = arith.constant 0 : i32
      %dma_start3A_707 = tpu.memref_slice %arg7[%dma_start3A_706] : memref<8208xf32, #tpu.memory_space<vmem>> -> memref<8192xf32, #tpu.memory_space<vmem>>
      tpu.enqueue_dma source(%dma_start3A_707 : memref<8192xf32, #tpu.memory_space<vmem>>) target(%dma_start3A_705 : memref<8192xf32, #tpu.memory_space<hbm>>) target_semaphore(%dma_start3A_703 : memref<!tpu.dma_semaphore, #tpu.memory_space<semaphore_mem>>)
      %mul3A_708 = arith.constant 3 : i32
      %mul3A_709 = arith.muli %add3A_506, %mul3A_708 : i32
      %add3A_710 = arith.constant 1 : i32
      %add3A_711 = arith.addi %mul3A_709, %add3A_710 : i32
      %add3A_712 = arith.constant 3 : i32
      %add3A_713 = arith.addi %add3A_711, %add3A_712 : i32
      %sub3A_714 = arith.constant 1 : i32
      %sub3A_715 = arith.subi %add3A_713, %sub3A_714 : i32
      %lt3A_716 = arith.constant 48 : i32
      %lt3A_717 = arith.cmpi slt, %sub3A_715, %lt3A_716 : i32
      %convert_element_type3A_718 = arith.extui %lt3A_717 : i1 to i32
      %cond3A_719 = arith.constant 0 : i32
      %cond3A_720 = arith.cmpi ne, %convert_element_type3A_718, %cond3A_719 : i32
      scf.if %cond3A_720 {
        %add3A_1118 = arith.constant 3 : i32
        %add3A_1119 = arith.addi %add3A_711, %add3A_1118 : i32
        %sub3A_1120 = arith.constant 1 : i32
        %sub3A_1121 = arith.subi %add3A_1119, %sub3A_1120 : i32
        %jit3A_1122 = arith.constant 6 : i32
        %div3A_1123 = arith.divsi %sub3A_1121, %jit3A_1122 : i32
        %sign3A_1124 = arith.constant 0 : i32
        %sign3A_1125 = arith.cmpi sgt, %sub3A_1121, %sign3A_1124 : i32
        %sign3A_1126 = arith.extui %sign3A_1125 : i1 to i32
        %sign3A_1127 = arith.constant 0 : i32
        %sign3A_1128 = arith.cmpi slt, %sub3A_1121, %sign3A_1127 : i32
        %sign3A_1129 = arith.extui %sign3A_1128 : i1 to i32
        %sign3A_1130 = arith.subi %sign3A_1126, %sign3A_1129 : i32
        %sign3A_1131 = arith.constant 0 : i32
        %sign3A_1132 = arith.cmpi sgt, %jit3A_1122, %sign3A_1131 : i32
        %sign3A_1133 = arith.extui %sign3A_1132 : i1 to i32
        %sign3A_1134 = arith.constant 0 : i32
        %sign3A_1135 = arith.cmpi slt, %jit3A_1122, %sign3A_1134 : i32
        %sign3A_1136 = arith.extui %sign3A_1135 : i1 to i32
        %sign3A_1137 = arith.subi %sign3A_1133, %sign3A_1136 : i32
        %ne3A_1138 = arith.cmpi ne, %sign3A_1130, %sign3A_1137 : i32
        %rem3A_1139 = arith.remsi %sub3A_1121, %jit3A_1122 : i32
        %ne3A_1140 = arith.constant 0 : i32
        %ne3A_1141 = arith.cmpi ne, %rem3A_1139, %ne3A_1140 : i32
        %and3A_1142 = arith.andi %ne3A_1138, %ne3A_1141 : i1
        %sub3A_1143 = arith.constant 1 : i32
        %sub3A_1144 = arith.subi %div3A_1123, %sub3A_1143 : i32
        %select_n3A_1145 = arith.select %and3A_1142, %sub3A_1144, %div3A_1123 : i32
        %add3A_1146 = arith.addi %mul3A_2, %select_n3A_1145 : i32
        %jit3A_1147 = arith.constant 6 : i32
        %eq3A_1148 = arith.constant 0 : i32
        %eq3A_1149 = arith.cmpi eq, %jit3A_1147, %eq3A_1148 : i32
        %jit3A_1150 = arith.constant 1 : i32
        %select_n3A_1151 = arith.select %eq3A_1149, %jit3A_1150, %jit3A_1147 : i32
        %rem3A_1152 = arith.remsi %sub3A_1121, %select_n3A_1151 : i32
        %ne3A_1153 = arith.constant 0 : i32
        %ne3A_1154 = arith.cmpi ne, %rem3A_1152, %ne3A_1153 : i32
        %lt3A_1155 = arith.constant 0 : i32
        %lt3A_1156 = arith.cmpi slt, %rem3A_1152, %lt3A_1155 : i32
        %lt3A_1157 = arith.constant 0 : i32
        %lt3A_1158 = arith.cmpi slt, %select_n3A_1151, %lt3A_1157 : i32
        %ne3A_1159 = arith.xori %lt3A_1156, %lt3A_1158 : i1
        %and3A_1160 = arith.andi %ne3A_1159, %ne3A_1154 : i1
        %add3A_1161 = arith.addi %rem3A_1152, %select_n3A_1151 : i32
        %select_n3A_1162 = arith.select %and3A_1160, %add3A_1161, %rem3A_1152 : i32
        %jit3A_1163 = arith.constant 64 : i32
        %div3A_1164 = arith.divsi %add3A_1146, %jit3A_1163 : i32
        %sign3A_1165 = arith.constant 0 : i32
        %sign3A_1166 = arith.cmpi sgt, %add3A_1146, %sign3A_1165 : i32
        %sign3A_1167 = arith.extui %sign3A_1166 : i1 to i32
        %sign3A_1168 = arith.constant 0 : i32
        %sign3A_1169 = arith.cmpi slt, %add3A_1146, %sign3A_1168 : i32
        %sign3A_1170 = arith.extui %sign3A_1169 : i1 to i32
        %sign3A_1171 = arith.subi %sign3A_1167, %sign3A_1170 : i32
        %sign3A_1172 = arith.constant 0 : i32
        %sign3A_1173 = arith.cmpi sgt, %jit3A_1163, %sign3A_1172 : i32
        %sign3A_1174 = arith.extui %sign3A_1173 : i1 to i32
        %sign3A_1175 = arith.constant 0 : i32
        %sign3A_1176 = arith.cmpi slt, %jit3A_1163, %sign3A_1175 : i32
        %sign3A_1177 = arith.extui %sign3A_1176 : i1 to i32
        %sign3A_1178 = arith.subi %sign3A_1174, %sign3A_1177 : i32
        %ne3A_1179 = arith.cmpi ne, %sign3A_1171, %sign3A_1178 : i32
        %rem3A_1180 = arith.remsi %add3A_1146, %jit3A_1163 : i32
        %ne3A_1181 = arith.constant 0 : i32
        %ne3A_1182 = arith.cmpi ne, %rem3A_1180, %ne3A_1181 : i32
        %and3A_1183 = arith.andi %ne3A_1179, %ne3A_1182 : i1
        %sub3A_1184 = arith.constant 1 : i32
        %sub3A_1185 = arith.subi %div3A_1164, %sub3A_1184 : i32
        %select_n3A_1186 = arith.select %and3A_1183, %sub3A_1185, %div3A_1164 : i32
        %jit3A_1187 = arith.constant 64 : i32
        %eq3A_1188 = arith.constant 0 : i32
        %eq3A_1189 = arith.cmpi eq, %jit3A_1187, %eq3A_1188 : i32
        %jit3A_1190 = arith.constant 1 : i32
        %select_n3A_1191 = arith.select %eq3A_1189, %jit3A_1190, %jit3A_1187 : i32
        %rem3A_1192 = arith.remsi %add3A_1146, %select_n3A_1191 : i32
        %ne3A_1193 = arith.constant 0 : i32
        %ne3A_1194 = arith.cmpi ne, %rem3A_1192, %ne3A_1193 : i32
        %lt3A_1195 = arith.constant 0 : i32
        %lt3A_1196 = arith.cmpi slt, %rem3A_1192, %lt3A_1195 : i32
        %lt3A_1197 = arith.constant 0 : i32
        %lt3A_1198 = arith.cmpi slt, %select_n3A_1191, %lt3A_1197 : i32
        %ne3A_1199 = arith.xori %lt3A_1196, %lt3A_1198 : i1
        %and3A_1200 = arith.andi %ne3A_1199, %ne3A_1194 : i1
        %add3A_1201 = arith.addi %rem3A_1192, %select_n3A_1191 : i32
        %select_n3A_1202 = arith.select %and3A_1200, %add3A_1201, %rem3A_1192 : i32
        %mul3A_1203 = arith.constant 32768 : i32
        %mul3A_1204 = arith.muli %select_n3A_1162, %mul3A_1203 : i32
        %dma_start3A_1205 = arith.constant 0 : i32
        %dma_start3A_1206 = tpu.memref_slice %arg2[%select_n3A_1186, %select_n3A_1202, %mul3A_1204] : memref<4x64x196608xf32, #tpu.memory_space<hbm>> -> memref<1x1x32768xf32, #tpu.memory_space<hbm>>
        %dma_start3A_1207 = tpu.memref_squeeze %dma_start3A_1206 : memref<1x1x32768xf32, #tpu.memory_space<hbm>> -> memref<32768xf32, #tpu.memory_space<hbm>>
        %dma_start3A_1208 = tpu.memref_slice %arg10[%dma_start3A_1205] : memref<3x!tpu.dma_semaphore, #tpu.memory_space<semaphore_mem>> -> memref<1x!tpu.dma_semaphore, #tpu.memory_space<semaphore_mem>>
        %dma_start3A_1209 = tpu.memref_squeeze %dma_start3A_1208 : memref<1x!tpu.dma_semaphore, #tpu.memory_space<semaphore_mem>> -> memref<!tpu.dma_semaphore, #tpu.memory_space<semaphore_mem>>
        %dma_start3A_1210 = tpu.memref_slice %arg2[%select_n3A_1186, %select_n3A_1202, %mul3A_1204] : memref<4x64x196608xf32, #tpu.memory_space<hbm>> -> memref<1x1x32768xf32, #tpu.memory_space<hbm>>
        %dma_start3A_1211 = tpu.memref_squeeze %dma_start3A_1210 : memref<1x1x32768xf32, #tpu.memory_space<hbm>> -> memref<32768xf32, #tpu.memory_space<hbm>>
        tpu.enqueue_dma source(%dma_start3A_1211 : memref<32768xf32, #tpu.memory_space<hbm>>) target(%arg4 : memref<32768xf32, #tpu.memory_space<vmem>>) target_semaphore(%dma_start3A_1209 : memref<!tpu.dma_semaphore, #tpu.memory_space<semaphore_mem>>)
      } else {
      }
      %jit3A_721 = arith.constant 6 : i32
      %div3A_722 = arith.divsi %add3A_711, %jit3A_721 : i32
      %sign3A_723 = arith.constant 0 : i32
      %sign3A_724 = arith.cmpi sgt, %add3A_711, %sign3A_723 : i32
      %sign3A_725 = arith.extui %sign3A_724 : i1 to i32
      %sign3A_726 = arith.constant 0 : i32
      %sign3A_727 = arith.cmpi slt, %add3A_711, %sign3A_726 : i32
      %sign3A_728 = arith.extui %sign3A_727 : i1 to i32
      %sign3A_729 = arith.subi %sign3A_725, %sign3A_728 : i32
      %sign3A_730 = arith.constant 0 : i32
      %sign3A_731 = arith.cmpi sgt, %jit3A_721, %sign3A_730 : i32
      %sign3A_732 = arith.extui %sign3A_731 : i1 to i32
      %sign3A_733 = arith.constant 0 : i32
      %sign3A_734 = arith.cmpi slt, %jit3A_721, %sign3A_733 : i32
      %sign3A_735 = arith.extui %sign3A_734 : i1 to i32
      %sign3A_736 = arith.subi %sign3A_732, %sign3A_735 : i32
      %ne3A_737 = arith.cmpi ne, %sign3A_729, %sign3A_736 : i32
      %rem3A_738 = arith.remsi %add3A_711, %jit3A_721 : i32
      %ne3A_739 = arith.constant 0 : i32
      %ne3A_740 = arith.cmpi ne, %rem3A_738, %ne3A_739 : i32
      %and3A_741 = arith.andi %ne3A_737, %ne3A_740 : i1
      %sub3A_742 = arith.constant 1 : i32
      %sub3A_743 = arith.subi %div3A_722, %sub3A_742 : i32
      %select_n3A_744 = arith.select %and3A_741, %sub3A_743, %div3A_722 : i32
      %add3A_745 = arith.addi %mul3A_2, %select_n3A_744 : i32
      %jit3A_746 = arith.constant 6 : i32
      %eq3A_747 = arith.constant 0 : i32
      %eq3A_748 = arith.cmpi eq, %jit3A_746, %eq3A_747 : i32
      %jit3A_749 = arith.constant 1 : i32
      %select_n3A_750 = arith.select %eq3A_748, %jit3A_749, %jit3A_746 : i32
      %rem3A_751 = arith.remsi %add3A_711, %select_n3A_750 : i32
      %ne3A_752 = arith.constant 0 : i32
      %ne3A_753 = arith.cmpi ne, %rem3A_751, %ne3A_752 : i32
      %lt3A_754 = arith.constant 0 : i32
      %lt3A_755 = arith.cmpi slt, %rem3A_751, %lt3A_754 : i32
      %lt3A_756 = arith.constant 0 : i32
      %lt3A_757 = arith.cmpi slt, %select_n3A_750, %lt3A_756 : i32
      %ne3A_758 = arith.xori %lt3A_755, %lt3A_757 : i1
      %and3A_759 = arith.andi %ne3A_758, %ne3A_753 : i1
      %add3A_760 = arith.addi %rem3A_751, %select_n3A_750 : i32
      %select_n3A_761 = arith.select %and3A_759, %add3A_760, %rem3A_751 : i32
      %jit3A_762 = arith.constant 64 : i32
      %div3A_763 = arith.divsi %add3A_745, %jit3A_762 : i32
      %sign3A_764 = arith.constant 0 : i32
      %sign3A_765 = arith.cmpi sgt, %add3A_745, %sign3A_764 : i32
      %sign3A_766 = arith.extui %sign3A_765 : i1 to i32
      %sign3A_767 = arith.constant 0 : i32
      %sign3A_768 = arith.cmpi slt, %add3A_745, %sign3A_767 : i32
      %sign3A_769 = arith.extui %sign3A_768 : i1 to i32
      %sign3A_770 = arith.subi %sign3A_766, %sign3A_769 : i32
      %sign3A_771 = arith.constant 0 : i32
      %sign3A_772 = arith.cmpi sgt, %jit3A_762, %sign3A_771 : i32
      %sign3A_773 = arith.extui %sign3A_772 : i1 to i32
      %sign3A_774 = arith.constant 0 : i32
      %sign3A_775 = arith.cmpi slt, %jit3A_762, %sign3A_774 : i32
      %sign3A_776 = arith.extui %sign3A_775 : i1 to i32
      %sign3A_777 = arith.subi %sign3A_773, %sign3A_776 : i32
      %ne3A_778 = arith.cmpi ne, %sign3A_770, %sign3A_777 : i32
      %rem3A_779 = arith.remsi %add3A_745, %jit3A_762 : i32
      %ne3A_780 = arith.constant 0 : i32
      %ne3A_781 = arith.cmpi ne, %rem3A_779, %ne3A_780 : i32
      %and3A_782 = arith.andi %ne3A_778, %ne3A_781 : i1
      %sub3A_783 = arith.constant 1 : i32
      %sub3A_784 = arith.subi %div3A_763, %sub3A_783 : i32
      %select_n3A_785 = arith.select %and3A_782, %sub3A_784, %div3A_763 : i32
      %jit3A_786 = arith.constant 64 : i32
      %eq3A_787 = arith.constant 0 : i32
      %eq3A_788 = arith.cmpi eq, %jit3A_786, %eq3A_787 : i32
      %jit3A_789 = arith.constant 1 : i32
      %select_n3A_790 = arith.select %eq3A_788, %jit3A_789, %jit3A_786 : i32
      %rem3A_791 = arith.remsi %add3A_745, %select_n3A_790 : i32
      %ne3A_792 = arith.constant 0 : i32
      %ne3A_793 = arith.cmpi ne, %rem3A_791, %ne3A_792 : i32
      %lt3A_794 = arith.constant 0 : i32
      %lt3A_795 = arith.cmpi slt, %rem3A_791, %lt3A_794 : i32
      %lt3A_796 = arith.constant 0 : i32
      %lt3A_797 = arith.cmpi slt, %select_n3A_790, %lt3A_796 : i32
      %ne3A_798 = arith.xori %lt3A_795, %lt3A_797 : i1
      %and3A_799 = arith.andi %ne3A_798, %ne3A_793 : i1
      %add3A_800 = arith.addi %rem3A_791, %select_n3A_790 : i32
      %select_n3A_801 = arith.select %and3A_799, %add3A_800, %rem3A_791 : i32
      %mul3A_802 = arith.constant 32768 : i32
      %mul3A_803 = arith.muli %select_n3A_761, %mul3A_802 : i32
      %dma_wait3A_804 = arith.constant 1 : i32
      %dma_wait3A_805 = tpu.memref_slice %arg2[%select_n3A_785, %select_n3A_801, %mul3A_803] : memref<4x64x196608xf32, #tpu.memory_space<hbm>> -> memref<1x1x32768xf32, #tpu.memory_space<hbm>>
      %dma_wait3A_806 = tpu.memref_squeeze %dma_wait3A_805 : memref<1x1x32768xf32, #tpu.memory_space<hbm>> -> memref<32768xf32, #tpu.memory_space<hbm>>
      %dma_wait3A_807 = tpu.memref_slice %arg10[%dma_wait3A_804] : memref<3x!tpu.dma_semaphore, #tpu.memory_space<semaphore_mem>> -> memref<1x!tpu.dma_semaphore, #tpu.memory_space<semaphore_mem>>
      %dma_wait3A_808 = tpu.memref_squeeze %dma_wait3A_807 : memref<1x!tpu.dma_semaphore, #tpu.memory_space<semaphore_mem>> -> memref<!tpu.dma_semaphore, #tpu.memory_space<semaphore_mem>>
      %dma_wait3A_809 = tpu.memref_slice %arg2[%select_n3A_785, %select_n3A_801, %mul3A_803] : memref<4x64x196608xf32, #tpu.memory_space<hbm>> -> memref<1x1x32768xf32, #tpu.memory_space<hbm>>
      %dma_wait3A_810 = tpu.memref_squeeze %dma_wait3A_809 : memref<1x1x32768xf32, #tpu.memory_space<hbm>> -> memref<32768xf32, #tpu.memory_space<hbm>>
      tpu.wait_dma2 semaphore(%dma_wait3A_808 : memref<!tpu.dma_semaphore, #tpu.memory_space<semaphore_mem>>) src(%dma_wait3A_810 : memref<32768xf32, #tpu.memory_space<hbm>>) dst(%arg5 : memref<32768xf32, #tpu.memory_space<vmem>>)
      %ge3A_811 = arith.constant 3 : i32
      %ge3A_812 = arith.cmpi sge, %add3A_711, %ge3A_811 : i32
      %convert_element_type3A_813 = arith.extui %ge3A_812 : i1 to i32
      %cond3A_814 = arith.constant 0 : i32
      %cond3A_815 = arith.cmpi ne, %convert_element_type3A_813, %cond3A_814 : i32
      scf.if %cond3A_815 {
        %sub3A_1118 = arith.constant 3 : i32
        %sub3A_1119 = arith.subi %add3A_711, %sub3A_1118 : i32
        %jit3A_1120 = arith.constant 6 : i32
        %div3A_1121 = arith.divsi %sub3A_1119, %jit3A_1120 : i32
        %sign3A_1122 = arith.constant 0 : i32
        %sign3A_1123 = arith.cmpi sgt, %sub3A_1119, %sign3A_1122 : i32
        %sign3A_1124 = arith.extui %sign3A_1123 : i1 to i32
        %sign3A_1125 = arith.constant 0 : i32
        %sign3A_1126 = arith.cmpi slt, %sub3A_1119, %sign3A_1125 : i32
        %sign3A_1127 = arith.extui %sign3A_1126 : i1 to i32
        %sign3A_1128 = arith.subi %sign3A_1124, %sign3A_1127 : i32
        %sign3A_1129 = arith.constant 0 : i32
        %sign3A_1130 = arith.cmpi sgt, %jit3A_1120, %sign3A_1129 : i32
        %sign3A_1131 = arith.extui %sign3A_1130 : i1 to i32
        %sign3A_1132 = arith.constant 0 : i32
        %sign3A_1133 = arith.cmpi slt, %jit3A_1120, %sign3A_1132 : i32
        %sign3A_1134 = arith.extui %sign3A_1133 : i1 to i32
        %sign3A_1135 = arith.subi %sign3A_1131, %sign3A_1134 : i32
        %ne3A_1136 = arith.cmpi ne, %sign3A_1128, %sign3A_1135 : i32
        %rem3A_1137 = arith.remsi %sub3A_1119, %jit3A_1120 : i32
        %ne3A_1138 = arith.constant 0 : i32
        %ne3A_1139 = arith.cmpi ne, %rem3A_1137, %ne3A_1138 : i32
        %and3A_1140 = arith.andi %ne3A_1136, %ne3A_1139 : i1
        %sub3A_1141 = arith.constant 1 : i32
        %sub3A_1142 = arith.subi %div3A_1121, %sub3A_1141 : i32
        %select_n3A_1143 = arith.select %and3A_1140, %sub3A_1142, %div3A_1121 : i32
        %add3A_1144 = arith.addi %mul3A_2, %select_n3A_1143 : i32
        %jit3A_1145 = arith.constant 6 : i32
        %eq3A_1146 = arith.constant 0 : i32
        %eq3A_1147 = arith.cmpi eq, %jit3A_1145, %eq3A_1146 : i32
        %jit3A_1148 = arith.constant 1 : i32
        %select_n3A_1149 = arith.select %eq3A_1147, %jit3A_1148, %jit3A_1145 : i32
        %rem3A_1150 = arith.remsi %sub3A_1119, %select_n3A_1149 : i32
        %ne3A_1151 = arith.constant 0 : i32
        %ne3A_1152 = arith.cmpi ne, %rem3A_1150, %ne3A_1151 : i32
        %lt3A_1153 = arith.constant 0 : i32
        %lt3A_1154 = arith.cmpi slt, %rem3A_1150, %lt3A_1153 : i32
        %lt3A_1155 = arith.constant 0 : i32
        %lt3A_1156 = arith.cmpi slt, %select_n3A_1149, %lt3A_1155 : i32
        %ne3A_1157 = arith.xori %lt3A_1154, %lt3A_1156 : i1
        %and3A_1158 = arith.andi %ne3A_1157, %ne3A_1152 : i1
        %add3A_1159 = arith.addi %rem3A_1150, %select_n3A_1149 : i32
        %select_n3A_1160 = arith.select %and3A_1158, %add3A_1159, %rem3A_1150 : i32
        %jit3A_1161 = arith.constant 64 : i32
        %div3A_1162 = arith.divsi %add3A_1144, %jit3A_1161 : i32
        %sign3A_1163 = arith.constant 0 : i32
        %sign3A_1164 = arith.cmpi sgt, %add3A_1144, %sign3A_1163 : i32
        %sign3A_1165 = arith.extui %sign3A_1164 : i1 to i32
        %sign3A_1166 = arith.constant 0 : i32
        %sign3A_1167 = arith.cmpi slt, %add3A_1144, %sign3A_1166 : i32
        %sign3A_1168 = arith.extui %sign3A_1167 : i1 to i32
        %sign3A_1169 = arith.subi %sign3A_1165, %sign3A_1168 : i32
        %sign3A_1170 = arith.constant 0 : i32
        %sign3A_1171 = arith.cmpi sgt, %jit3A_1161, %sign3A_1170 : i32
        %sign3A_1172 = arith.extui %sign3A_1171 : i1 to i32
        %sign3A_1173 = arith.constant 0 : i32
        %sign3A_1174 = arith.cmpi slt, %jit3A_1161, %sign3A_1173 : i32
        %sign3A_1175 = arith.extui %sign3A_1174 : i1 to i32
        %sign3A_1176 = arith.subi %sign3A_1172, %sign3A_1175 : i32
        %ne3A_1177 = arith.cmpi ne, %sign3A_1169, %sign3A_1176 : i32
        %rem3A_1178 = arith.remsi %add3A_1144, %jit3A_1161 : i32
        %ne3A_1179 = arith.constant 0 : i32
        %ne3A_1180 = arith.cmpi ne, %rem3A_1178, %ne3A_1179 : i32
        %and3A_1181 = arith.andi %ne3A_1177, %ne3A_1180 : i1
        %sub3A_1182 = arith.constant 1 : i32
        %sub3A_1183 = arith.subi %div3A_1162, %sub3A_1182 : i32
        %select_n3A_1184 = arith.select %and3A_1181, %sub3A_1183, %div3A_1162 : i32
        %jit3A_1185 = arith.constant 64 : i32
        %eq3A_1186 = arith.constant 0 : i32
        %eq3A_1187 = arith.cmpi eq, %jit3A_1185, %eq3A_1186 : i32
        %jit3A_1188 = arith.constant 1 : i32
        %select_n3A_1189 = arith.select %eq3A_1187, %jit3A_1188, %jit3A_1185 : i32
        %rem3A_1190 = arith.remsi %add3A_1144, %select_n3A_1189 : i32
        %ne3A_1191 = arith.constant 0 : i32
        %ne3A_1192 = arith.cmpi ne, %rem3A_1190, %ne3A_1191 : i32
        %lt3A_1193 = arith.constant 0 : i32
        %lt3A_1194 = arith.cmpi slt, %rem3A_1190, %lt3A_1193 : i32
        %lt3A_1195 = arith.constant 0 : i32
        %lt3A_1196 = arith.cmpi slt, %select_n3A_1189, %lt3A_1195 : i32
        %ne3A_1197 = arith.xori %lt3A_1194, %lt3A_1196 : i1
        %and3A_1198 = arith.andi %ne3A_1197, %ne3A_1192 : i1
        %add3A_1199 = arith.addi %rem3A_1190, %select_n3A_1189 : i32
        %select_n3A_1200 = arith.select %and3A_1198, %add3A_1199, %rem3A_1190 : i32
        %mul3A_1201 = arith.constant 8192 : i32
        %mul3A_1202 = arith.muli %select_n3A_1160, %mul3A_1201 : i32
        %dma_wait3A_1203 = arith.constant 1 : i32
        %dma_wait3A_1204 = arith.constant 0 : i32
        %dma_wait3A_1205 = tpu.memref_slice %arg8[%dma_wait3A_1204] : memref<8208xf32, #tpu.memory_space<vmem>> -> memref<8192xf32, #tpu.memory_space<vmem>>
        %dma_wait3A_1206 = tpu.memref_slice %arg3[%select_n3A_1184, %select_n3A_1200, %mul3A_1202] : memref<4x64x49152xf32, #tpu.memory_space<hbm>> -> memref<1x1x8192xf32, #tpu.memory_space<hbm>>
        %dma_wait3A_1207 = tpu.memref_squeeze %dma_wait3A_1206 : memref<1x1x8192xf32, #tpu.memory_space<hbm>> -> memref<8192xf32, #tpu.memory_space<hbm>>
        %dma_wait3A_1208 = tpu.memref_slice %arg11[%dma_wait3A_1203] : memref<3x!tpu.dma_semaphore, #tpu.memory_space<semaphore_mem>> -> memref<1x!tpu.dma_semaphore, #tpu.memory_space<semaphore_mem>>
        %dma_wait3A_1209 = tpu.memref_squeeze %dma_wait3A_1208 : memref<1x!tpu.dma_semaphore, #tpu.memory_space<semaphore_mem>> -> memref<!tpu.dma_semaphore, #tpu.memory_space<semaphore_mem>>
        %dma_wait3A_1210 = tpu.memref_slice %arg3[%select_n3A_1184, %select_n3A_1200, %mul3A_1202] : memref<4x64x49152xf32, #tpu.memory_space<hbm>> -> memref<1x1x8192xf32, #tpu.memory_space<hbm>>
        %dma_wait3A_1211 = tpu.memref_squeeze %dma_wait3A_1210 : memref<1x1x8192xf32, #tpu.memory_space<hbm>> -> memref<8192xf32, #tpu.memory_space<hbm>>
        %dma_wait3A_1212 = arith.constant 0 : i32
        %dma_wait3A_1213 = tpu.memref_slice %arg8[%dma_wait3A_1212] : memref<8208xf32, #tpu.memory_space<vmem>> -> memref<8192xf32, #tpu.memory_space<vmem>>
        tpu.wait_dma2 semaphore(%dma_wait3A_1209 : memref<!tpu.dma_semaphore, #tpu.memory_space<semaphore_mem>>) src(%dma_wait3A_1213 : memref<8192xf32, #tpu.memory_space<vmem>>) dst(%dma_wait3A_1211 : memref<8192xf32, #tpu.memory_space<hbm>>)
      } else {
      }
      %parallel_loop3A_816 = arith.constant 0 : i32
      %parallel_loop3A_817 = arith.constant 512 : i32
      %parallel_loop3A_818 = arith.constant 1 : i32
      scf.for %parallel_loop3A_1118 = %parallel_loop3A_816 to %parallel_loop3A_817 step %parallel_loop3A_818  : i32 {
        %parallel_loop3A_1119 = arith.constant 64 : i32
        %parallel_loop3A_1120 = arith.muli %parallel_loop3A_1118, %parallel_loop3A_1119 : i32
        %parallel_loop3A_1121 = vector.broadcast %parallel_loop3A_1120 : i32 to vector<16xi32>
        %parallel_loop3A_1122 = arith.addi %parallel_loop3A_1121, %add3A_52 : vector<16xi32>
        %parallel_loop3A_1123 = tpu.vector_load_idx %arg5[%parallel_loop3A_1122] : memref<32768xf32, #tpu.memory_space<vmem>>[vector<16xi32>], vector<16xf32>,
        %parallel_loop3A_1124 = vector.broadcast %parallel_loop3A_1120 : i32 to vector<16xi32>
        %parallel_loop3A_1125 = arith.addi %parallel_loop3A_1124, %add3A_112 : vector<16xi32>
        %parallel_loop3A_1126 = tpu.vector_load_idx %arg5[%parallel_loop3A_1125] : memref<32768xf32, #tpu.memory_space<vmem>>[vector<16xi32>], vector<16xf32>,
        %parallel_loop3A_1127 = vector.broadcast %parallel_loop3A_1120 : i32 to vector<16xi32>
        %parallel_loop3A_1128 = arith.addi %parallel_loop3A_1127, %add3A_172 : vector<16xi32>
        %parallel_loop3A_1129 = tpu.vector_load_idx %arg5[%parallel_loop3A_1128] : memref<32768xf32, #tpu.memory_space<vmem>>[vector<16xi32>], vector<16xf32>,
        %parallel_loop3A_1130 = vector.broadcast %parallel_loop3A_1120 : i32 to vector<16xi32>
        %parallel_loop3A_1131 = arith.addi %parallel_loop3A_1130, %add3A_232 : vector<16xi32>
        %parallel_loop3A_1132 = tpu.vector_load_idx %arg5[%parallel_loop3A_1131] : memref<32768xf32, #tpu.memory_space<vmem>>[vector<16xi32>], vector<16xf32>,
        %parallel_loop3A_1133 = arith.maximumf %parallel_loop3A_1123, %parallel_loop3A_1126 : vector<16xf32>
        %parallel_loop3A_1134 = arith.maximumf %parallel_loop3A_1129, %parallel_loop3A_1132 : vector<16xf32>
        %parallel_loop3A_1135 = arith.maximumf %parallel_loop3A_1133, %parallel_loop3A_1134 : vector<16xf32>
        %parallel_loop3A_1136 = arith.constant 16 : i32
        %parallel_loop3A_1137 = arith.muli %parallel_loop3A_1118, %parallel_loop3A_1136 : i32
        %parallel_loop3A_1138 = arith.index_cast %parallel_loop3A_1137 : i32 to index
        %parallel_loop3A_1139 = tpu.vector_load %arg8[%parallel_loop3A_1138] {strides = array<i32>} : memref<8208xf32, #tpu.memory_space<vmem>>, vector<16xf32>,
        tpu.vector_store %arg8[%parallel_loop3A_1138], %parallel_loop3A_1135 {strides = array<i32>} : memref<8208xf32, #tpu.memory_space<vmem>>, vector<16xf32>,
      } {sc.loop_unroll_factor = 8 : i64, sc.parallel_access}
      %jit3A_819 = arith.constant 6 : i32
      %div3A_820 = arith.divsi %add3A_711, %jit3A_819 : i32
      %sign3A_821 = arith.constant 0 : i32
      %sign3A_822 = arith.cmpi sgt, %add3A_711, %sign3A_821 : i32
      %sign3A_823 = arith.extui %sign3A_822 : i1 to i32
      %sign3A_824 = arith.constant 0 : i32
      %sign3A_825 = arith.cmpi slt, %add3A_711, %sign3A_824 : i32
      %sign3A_826 = arith.extui %sign3A_825 : i1 to i32
      %sign3A_827 = arith.subi %sign3A_823, %sign3A_826 : i32
      %sign3A_828 = arith.constant 0 : i32
      %sign3A_829 = arith.cmpi sgt, %jit3A_819, %sign3A_828 : i32
      %sign3A_830 = arith.extui %sign3A_829 : i1 to i32
      %sign3A_831 = arith.constant 0 : i32
      %sign3A_832 = arith.cmpi slt, %jit3A_819, %sign3A_831 : i32
      %sign3A_833 = arith.extui %sign3A_832 : i1 to i32
      %sign3A_834 = arith.subi %sign3A_830, %sign3A_833 : i32
      %ne3A_835 = arith.cmpi ne, %sign3A_827, %sign3A_834 : i32
      %rem3A_836 = arith.remsi %add3A_711, %jit3A_819 : i32
      %ne3A_837 = arith.constant 0 : i32
      %ne3A_838 = arith.cmpi ne, %rem3A_836, %ne3A_837 : i32
      %and3A_839 = arith.andi %ne3A_835, %ne3A_838 : i1
      %sub3A_840 = arith.constant 1 : i32
      %sub3A_841 = arith.subi %div3A_820, %sub3A_840 : i32
      %select_n3A_842 = arith.select %and3A_839, %sub3A_841, %div3A_820 : i32
      %add3A_843 = arith.addi %mul3A_2, %select_n3A_842 : i32
      %jit3A_844 = arith.constant 6 : i32
      %eq3A_845 = arith.constant 0 : i32
      %eq3A_846 = arith.cmpi eq, %jit3A_844, %eq3A_845 : i32
      %jit3A_847 = arith.constant 1 : i32
      %select_n3A_848 = arith.select %eq3A_846, %jit3A_847, %jit3A_844 : i32
      %rem3A_849 = arith.remsi %add3A_711, %select_n3A_848 : i32
      %ne3A_850 = arith.constant 0 : i32
      %ne3A_851 = arith.cmpi ne, %rem3A_849, %ne3A_850 : i32
      %lt3A_852 = arith.constant 0 : i32
      %lt3A_853 = arith.cmpi slt, %rem3A_849, %lt3A_852 : i32
      %lt3A_854 = arith.constant 0 : i32
      %lt3A_855 = arith.cmpi slt, %select_n3A_848, %lt3A_854 : i32
      %ne3A_856 = arith.xori %lt3A_853, %lt3A_855 : i1
      %and3A_857 = arith.andi %ne3A_856, %ne3A_851 : i1
      %add3A_858 = arith.addi %rem3A_849, %select_n3A_848 : i32
      %select_n3A_859 = arith.select %and3A_857, %add3A_858, %rem3A_849 : i32
      %jit3A_860 = arith.constant 64 : i32
      %div3A_861 = arith.divsi %add3A_843, %jit3A_860 : i32
      %sign3A_862 = arith.constant 0 : i32
      %sign3A_863 = arith.cmpi sgt, %add3A_843, %sign3A_862 : i32
      %sign3A_864 = arith.extui %sign3A_863 : i1 to i32
      %sign3A_865 = arith.constant 0 : i32
      %sign3A_866 = arith.cmpi slt, %add3A_843, %sign3A_865 : i32
      %sign3A_867 = arith.extui %sign3A_866 : i1 to i32
      %sign3A_868 = arith.subi %sign3A_864, %sign3A_867 : i32
      %sign3A_869 = arith.constant 0 : i32
      %sign3A_870 = arith.cmpi sgt, %jit3A_860, %sign3A_869 : i32
      %sign3A_871 = arith.extui %sign3A_870 : i1 to i32
      %sign3A_872 = arith.constant 0 : i32
      %sign3A_873 = arith.cmpi slt, %jit3A_860, %sign3A_872 : i32
      %sign3A_874 = arith.extui %sign3A_873 : i1 to i32
      %sign3A_875 = arith.subi %sign3A_871, %sign3A_874 : i32
      %ne3A_876 = arith.cmpi ne, %sign3A_868, %sign3A_875 : i32
      %rem3A_877 = arith.remsi %add3A_843, %jit3A_860 : i32
      %ne3A_878 = arith.constant 0 : i32
      %ne3A_879 = arith.cmpi ne, %rem3A_877, %ne3A_878 : i32
      %and3A_880 = arith.andi %ne3A_876, %ne3A_879 : i1
      %sub3A_881 = arith.constant 1 : i32
      %sub3A_882 = arith.subi %div3A_861, %sub3A_881 : i32
      %select_n3A_883 = arith.select %and3A_880, %sub3A_882, %div3A_861 : i32
      %jit3A_884 = arith.constant 64 : i32
      %eq3A_885 = arith.constant 0 : i32
      %eq3A_886 = arith.cmpi eq, %jit3A_884, %eq3A_885 : i32
      %jit3A_887 = arith.constant 1 : i32
      %select_n3A_888 = arith.select %eq3A_886, %jit3A_887, %jit3A_884 : i32
      %rem3A_889 = arith.remsi %add3A_843, %select_n3A_888 : i32
      %ne3A_890 = arith.constant 0 : i32
      %ne3A_891 = arith.cmpi ne, %rem3A_889, %ne3A_890 : i32
      %lt3A_892 = arith.constant 0 : i32
      %lt3A_893 = arith.cmpi slt, %rem3A_889, %lt3A_892 : i32
      %lt3A_894 = arith.constant 0 : i32
      %lt3A_895 = arith.cmpi slt, %select_n3A_888, %lt3A_894 : i32
      %ne3A_896 = arith.xori %lt3A_893, %lt3A_895 : i1
      %and3A_897 = arith.andi %ne3A_896, %ne3A_891 : i1
      %add3A_898 = arith.addi %rem3A_889, %select_n3A_888 : i32
      %select_n3A_899 = arith.select %and3A_897, %add3A_898, %rem3A_889 : i32
      %mul3A_900 = arith.constant 8192 : i32
      %mul3A_901 = arith.muli %select_n3A_859, %mul3A_900 : i32
      %dma_start3A_902 = arith.constant 1 : i32
      %dma_start3A_903 = arith.constant 0 : i32
      %dma_start3A_904 = tpu.memref_slice %arg8[%dma_start3A_903] : memref<8208xf32, #tpu.memory_space<vmem>> -> memref<8192xf32, #tpu.memory_space<vmem>>
      %dma_start3A_905 = tpu.memref_slice %arg3[%select_n3A_883, %select_n3A_899, %mul3A_901] : memref<4x64x49152xf32, #tpu.memory_space<hbm>> -> memref<1x1x8192xf32, #tpu.memory_space<hbm>>
      %dma_start3A_906 = tpu.memref_squeeze %dma_start3A_905 : memref<1x1x8192xf32, #tpu.memory_space<hbm>> -> memref<8192xf32, #tpu.memory_space<hbm>>
      %dma_start3A_907 = tpu.memref_slice %arg11[%dma_start3A_902] : memref<3x!tpu.dma_semaphore, #tpu.memory_space<semaphore_mem>> -> memref<1x!tpu.dma_semaphore, #tpu.memory_space<semaphore_mem>>
      %dma_start3A_908 = tpu.memref_squeeze %dma_start3A_907 : memref<1x!tpu.dma_semaphore, #tpu.memory_space<semaphore_mem>> -> memref<!tpu.dma_semaphore, #tpu.memory_space<semaphore_mem>>
      %dma_start3A_909 = tpu.memref_slice %arg3[%select_n3A_883, %select_n3A_899, %mul3A_901] : memref<4x64x49152xf32, #tpu.memory_space<hbm>> -> memref<1x1x8192xf32, #tpu.memory_space<hbm>>
      %dma_start3A_910 = tpu.memref_squeeze %dma_start3A_909 : memref<1x1x8192xf32, #tpu.memory_space<hbm>> -> memref<8192xf32, #tpu.memory_space<hbm>>
      %dma_start3A_911 = arith.constant 0 : i32
      %dma_start3A_912 = tpu.memref_slice %arg8[%dma_start3A_911] : memref<8208xf32, #tpu.memory_space<vmem>> -> memref<8192xf32, #tpu.memory_space<vmem>>
      tpu.enqueue_dma source(%dma_start3A_912 : memref<8192xf32, #tpu.memory_space<vmem>>) target(%dma_start3A_910 : memref<8192xf32, #tpu.memory_space<hbm>>) target_semaphore(%dma_start3A_908 : memref<!tpu.dma_semaphore, #tpu.memory_space<semaphore_mem>>)
      %mul3A_913 = arith.constant 3 : i32
      %mul3A_914 = arith.muli %add3A_506, %mul3A_913 : i32
      %add3A_915 = arith.constant 2 : i32
      %add3A_916 = arith.addi %mul3A_914, %add3A_915 : i32
      %add3A_917 = arith.constant 3 : i32
      %add3A_918 = arith.addi %add3A_916, %add3A_917 : i32
      %sub3A_919 = arith.constant 1 : i32
      %sub3A_920 = arith.subi %add3A_918, %sub3A_919 : i32
      %lt3A_921 = arith.constant 48 : i32
      %lt3A_922 = arith.cmpi slt, %sub3A_920, %lt3A_921 : i32
      %convert_element_type3A_923 = arith.extui %lt3A_922 : i1 to i32
      %cond3A_924 = arith.constant 0 : i32
      %cond3A_925 = arith.cmpi ne, %convert_element_type3A_923, %cond3A_924 : i32
      scf.if %cond3A_925 {
        %add3A_1118 = arith.constant 3 : i32
        %add3A_1119 = arith.addi %add3A_916, %add3A_1118 : i32
        %sub3A_1120 = arith.constant 1 : i32
        %sub3A_1121 = arith.subi %add3A_1119, %sub3A_1120 : i32
        %jit3A_1122 = arith.constant 6 : i32
        %div3A_1123 = arith.divsi %sub3A_1121, %jit3A_1122 : i32
        %sign3A_1124 = arith.constant 0 : i32
        %sign3A_1125 = arith.cmpi sgt, %sub3A_1121, %sign3A_1124 : i32
        %sign3A_1126 = arith.extui %sign3A_1125 : i1 to i32
        %sign3A_1127 = arith.constant 0 : i32
        %sign3A_1128 = arith.cmpi slt, %sub3A_1121, %sign3A_1127 : i32
        %sign3A_1129 = arith.extui %sign3A_1128 : i1 to i32
        %sign3A_1130 = arith.subi %sign3A_1126, %sign3A_1129 : i32
        %sign3A_1131 = arith.constant 0 : i32
        %sign3A_1132 = arith.cmpi sgt, %jit3A_1122, %sign3A_1131 : i32
        %sign3A_1133 = arith.extui %sign3A_1132 : i1 to i32
        %sign3A_1134 = arith.constant 0 : i32
        %sign3A_1135 = arith.cmpi slt, %jit3A_1122, %sign3A_1134 : i32
        %sign3A_1136 = arith.extui %sign3A_1135 : i1 to i32
        %sign3A_1137 = arith.subi %sign3A_1133, %sign3A_1136 : i32
        %ne3A_1138 = arith.cmpi ne, %sign3A_1130, %sign3A_1137 : i32
        %rem3A_1139 = arith.remsi %sub3A_1121, %jit3A_1122 : i32
        %ne3A_1140 = arith.constant 0 : i32
        %ne3A_1141 = arith.cmpi ne, %rem3A_1139, %ne3A_1140 : i32
        %and3A_1142 = arith.andi %ne3A_1138, %ne3A_1141 : i1
        %sub3A_1143 = arith.constant 1 : i32
        %sub3A_1144 = arith.subi %div3A_1123, %sub3A_1143 : i32
        %select_n3A_1145 = arith.select %and3A_1142, %sub3A_1144, %div3A_1123 : i32
        %add3A_1146 = arith.addi %mul3A_2, %select_n3A_1145 : i32
        %jit3A_1147 = arith.constant 6 : i32
        %eq3A_1148 = arith.constant 0 : i32
        %eq3A_1149 = arith.cmpi eq, %jit3A_1147, %eq3A_1148 : i32
        %jit3A_1150 = arith.constant 1 : i32
        %select_n3A_1151 = arith.select %eq3A_1149, %jit3A_1150, %jit3A_1147 : i32
        %rem3A_1152 = arith.remsi %sub3A_1121, %select_n3A_1151 : i32
        %ne3A_1153 = arith.constant 0 : i32
        %ne3A_1154 = arith.cmpi ne, %rem3A_1152, %ne3A_1153 : i32
        %lt3A_1155 = arith.constant 0 : i32
        %lt3A_1156 = arith.cmpi slt, %rem3A_1152, %lt3A_1155 : i32
        %lt3A_1157 = arith.constant 0 : i32
        %lt3A_1158 = arith.cmpi slt, %select_n3A_1151, %lt3A_1157 : i32
        %ne3A_1159 = arith.xori %lt3A_1156, %lt3A_1158 : i1
        %and3A_1160 = arith.andi %ne3A_1159, %ne3A_1154 : i1
        %add3A_1161 = arith.addi %rem3A_1152, %select_n3A_1151 : i32
        %select_n3A_1162 = arith.select %and3A_1160, %add3A_1161, %rem3A_1152 : i32
        %jit3A_1163 = arith.constant 64 : i32
        %div3A_1164 = arith.divsi %add3A_1146, %jit3A_1163 : i32
        %sign3A_1165 = arith.constant 0 : i32
        %sign3A_1166 = arith.cmpi sgt, %add3A_1146, %sign3A_1165 : i32
        %sign3A_1167 = arith.extui %sign3A_1166 : i1 to i32
        %sign3A_1168 = arith.constant 0 : i32
        %sign3A_1169 = arith.cmpi slt, %add3A_1146, %sign3A_1168 : i32
        %sign3A_1170 = arith.extui %sign3A_1169 : i1 to i32
        %sign3A_1171 = arith.subi %sign3A_1167, %sign3A_1170 : i32
        %sign3A_1172 = arith.constant 0 : i32
        %sign3A_1173 = arith.cmpi sgt, %jit3A_1163, %sign3A_1172 : i32
        %sign3A_1174 = arith.extui %sign3A_1173 : i1 to i32
        %sign3A_1175 = arith.constant 0 : i32
        %sign3A_1176 = arith.cmpi slt, %jit3A_1163, %sign3A_1175 : i32
        %sign3A_1177 = arith.extui %sign3A_1176 : i1 to i32
        %sign3A_1178 = arith.subi %sign3A_1174, %sign3A_1177 : i32
        %ne3A_1179 = arith.cmpi ne, %sign3A_1171, %sign3A_1178 : i32
        %rem3A_1180 = arith.remsi %add3A_1146, %jit3A_1163 : i32
        %ne3A_1181 = arith.constant 0 : i32
        %ne3A_1182 = arith.cmpi ne, %rem3A_1180, %ne3A_1181 : i32
        %and3A_1183 = arith.andi %ne3A_1179, %ne3A_1182 : i1
        %sub3A_1184 = arith.constant 1 : i32
        %sub3A_1185 = arith.subi %div3A_1164, %sub3A_1184 : i32
        %select_n3A_1186 = arith.select %and3A_1183, %sub3A_1185, %div3A_1164 : i32
        %jit3A_1187 = arith.constant 64 : i32
        %eq3A_1188 = arith.constant 0 : i32
        %eq3A_1189 = arith.cmpi eq, %jit3A_1187, %eq3A_1188 : i32
        %jit3A_1190 = arith.constant 1 : i32
        %select_n3A_1191 = arith.select %eq3A_1189, %jit3A_1190, %jit3A_1187 : i32
        %rem3A_1192 = arith.remsi %add3A_1146, %select_n3A_1191 : i32
        %ne3A_1193 = arith.constant 0 : i32
        %ne3A_1194 = arith.cmpi ne, %rem3A_1192, %ne3A_1193 : i32
        %lt3A_1195 = arith.constant 0 : i32
        %lt3A_1196 = arith.cmpi slt, %rem3A_1192, %lt3A_1195 : i32
        %lt3A_1197 = arith.constant 0 : i32
        %lt3A_1198 = arith.cmpi slt, %select_n3A_1191, %lt3A_1197 : i32
        %ne3A_1199 = arith.xori %lt3A_1196, %lt3A_1198 : i1
        %and3A_1200 = arith.andi %ne3A_1199, %ne3A_1194 : i1
        %add3A_1201 = arith.addi %rem3A_1192, %select_n3A_1191 : i32
        %select_n3A_1202 = arith.select %and3A_1200, %add3A_1201, %rem3A_1192 : i32
        %mul3A_1203 = arith.constant 32768 : i32
        %mul3A_1204 = arith.muli %select_n3A_1162, %mul3A_1203 : i32
        %dma_start3A_1205 = arith.constant 1 : i32
        %dma_start3A_1206 = tpu.memref_slice %arg2[%select_n3A_1186, %select_n3A_1202, %mul3A_1204] : memref<4x64x196608xf32, #tpu.memory_space<hbm>> -> memref<1x1x32768xf32, #tpu.memory_space<hbm>>
        %dma_start3A_1207 = tpu.memref_squeeze %dma_start3A_1206 : memref<1x1x32768xf32, #tpu.memory_space<hbm>> -> memref<32768xf32, #tpu.memory_space<hbm>>
        %dma_start3A_1208 = tpu.memref_slice %arg10[%dma_start3A_1205] : memref<3x!tpu.dma_semaphore, #tpu.memory_space<semaphore_mem>> -> memref<1x!tpu.dma_semaphore, #tpu.memory_space<semaphore_mem>>
        %dma_start3A_1209 = tpu.memref_squeeze %dma_start3A_1208 : memref<1x!tpu.dma_semaphore, #tpu.memory_space<semaphore_mem>> -> memref<!tpu.dma_semaphore, #tpu.memory_space<semaphore_mem>>
        %dma_start3A_1210 = tpu.memref_slice %arg2[%select_n3A_1186, %select_n3A_1202, %mul3A_1204] : memref<4x64x196608xf32, #tpu.memory_space<hbm>> -> memref<1x1x32768xf32, #tpu.memory_space<hbm>>
        %dma_start3A_1211 = tpu.memref_squeeze %dma_start3A_1210 : memref<1x1x32768xf32, #tpu.memory_space<hbm>> -> memref<32768xf32, #tpu.memory_space<hbm>>
        tpu.enqueue_dma source(%dma_start3A_1211 : memref<32768xf32, #tpu.memory_space<hbm>>) target(%arg5 : memref<32768xf32, #tpu.memory_space<vmem>>) target_semaphore(%dma_start3A_1209 : memref<!tpu.dma_semaphore, #tpu.memory_space<semaphore_mem>>)
      } else {
      }
      %jit3A_926 = arith.constant 6 : i32
      %div3A_927 = arith.divsi %add3A_916, %jit3A_926 : i32
      %sign3A_928 = arith.constant 0 : i32
      %sign3A_929 = arith.cmpi sgt, %add3A_916, %sign3A_928 : i32
      %sign3A_930 = arith.extui %sign3A_929 : i1 to i32
      %sign3A_931 = arith.constant 0 : i32
      %sign3A_932 = arith.cmpi slt, %add3A_916, %sign3A_931 : i32
      %sign3A_933 = arith.extui %sign3A_932 : i1 to i32
      %sign3A_934 = arith.subi %sign3A_930, %sign3A_933 : i32
      %sign3A_935 = arith.constant 0 : i32
      %sign3A_936 = arith.cmpi sgt, %jit3A_926, %sign3A_935 : i32
      %sign3A_937 = arith.extui %sign3A_936 : i1 to i32
      %sign3A_938 = arith.constant 0 : i32
      %sign3A_939 = arith.cmpi slt, %jit3A_926, %sign3A_938 : i32
      %sign3A_940 = arith.extui %sign3A_939 : i1 to i32
      %sign3A_941 = arith.subi %sign3A_937, %sign3A_940 : i32
      %ne3A_942 = arith.cmpi ne, %sign3A_934, %sign3A_941 : i32
      %rem3A_943 = arith.remsi %add3A_916, %jit3A_926 : i32
      %ne3A_944 = arith.constant 0 : i32
      %ne3A_945 = arith.cmpi ne, %rem3A_943, %ne3A_944 : i32
      %and3A_946 = arith.andi %ne3A_942, %ne3A_945 : i1
      %sub3A_947 = arith.constant 1 : i32
      %sub3A_948 = arith.subi %div3A_927, %sub3A_947 : i32
      %select_n3A_949 = arith.select %and3A_946, %sub3A_948, %div3A_927 : i32
      %add3A_950 = arith.addi %mul3A_2, %select_n3A_949 : i32
      %jit3A_951 = arith.constant 6 : i32
      %eq3A_952 = arith.constant 0 : i32
      %eq3A_953 = arith.cmpi eq, %jit3A_951, %eq3A_952 : i32
      %jit3A_954 = arith.constant 1 : i32
      %select_n3A_955 = arith.select %eq3A_953, %jit3A_954, %jit3A_951 : i32
      %rem3A_956 = arith.remsi %add3A_916, %select_n3A_955 : i32
      %ne3A_957 = arith.constant 0 : i32
      %ne3A_958 = arith.cmpi ne, %rem3A_956, %ne3A_957 : i32
      %lt3A_959 = arith.constant 0 : i32
      %lt3A_960 = arith.cmpi slt, %rem3A_956, %lt3A_959 : i32
      %lt3A_961 = arith.constant 0 : i32
      %lt3A_962 = arith.cmpi slt, %select_n3A_955, %lt3A_961 : i32
      %ne3A_963 = arith.xori %lt3A_960, %lt3A_962 : i1
      %and3A_964 = arith.andi %ne3A_963, %ne3A_958 : i1
      %add3A_965 = arith.addi %rem3A_956, %select_n3A_955 : i32
      %select_n3A_966 = arith.select %and3A_964, %add3A_965, %rem3A_956 : i32
      %jit3A_967 = arith.constant 64 : i32
      %div3A_968 = arith.divsi %add3A_950, %jit3A_967 : i32
      %sign3A_969 = arith.constant 0 : i32
      %sign3A_970 = arith.cmpi sgt, %add3A_950, %sign3A_969 : i32
      %sign3A_971 = arith.extui %sign3A_970 : i1 to i32
      %sign3A_972 = arith.constant 0 : i32
      %sign3A_973 = arith.cmpi slt, %add3A_950, %sign3A_972 : i32
      %sign3A_974 = arith.extui %sign3A_973 : i1 to i32
      %sign3A_975 = arith.subi %sign3A_971, %sign3A_974 : i32
      %sign3A_976 = arith.constant 0 : i32
      %sign3A_977 = arith.cmpi sgt, %jit3A_967, %sign3A_976 : i32
      %sign3A_978 = arith.extui %sign3A_977 : i1 to i32
      %sign3A_979 = arith.constant 0 : i32
      %sign3A_980 = arith.cmpi slt, %jit3A_967, %sign3A_979 : i32
      %sign3A_981 = arith.extui %sign3A_980 : i1 to i32
      %sign3A_982 = arith.subi %sign3A_978, %sign3A_981 : i32
      %ne3A_983 = arith.cmpi ne, %sign3A_975, %sign3A_982 : i32
      %rem3A_984 = arith.remsi %add3A_950, %jit3A_967 : i32
      %ne3A_985 = arith.constant 0 : i32
      %ne3A_986 = arith.cmpi ne, %rem3A_984, %ne3A_985 : i32
      %and3A_987 = arith.andi %ne3A_983, %ne3A_986 : i1
      %sub3A_988 = arith.constant 1 : i32
      %sub3A_989 = arith.subi %div3A_968, %sub3A_988 : i32
      %select_n3A_990 = arith.select %and3A_987, %sub3A_989, %div3A_968 : i32
      %jit3A_991 = arith.constant 64 : i32
      %eq3A_992 = arith.constant 0 : i32
      %eq3A_993 = arith.cmpi eq, %jit3A_991, %eq3A_992 : i32
      %jit3A_994 = arith.constant 1 : i32
      %select_n3A_995 = arith.select %eq3A_993, %jit3A_994, %jit3A_991 : i32
      %rem3A_996 = arith.remsi %add3A_950, %select_n3A_995 : i32
      %ne3A_997 = arith.constant 0 : i32
      %ne3A_998 = arith.cmpi ne, %rem3A_996, %ne3A_997 : i32
      %lt3A_999 = arith.constant 0 : i32
      %lt3A_1000 = arith.cmpi slt, %rem3A_996, %lt3A_999 : i32
      %lt3A_1001 = arith.constant 0 : i32
      %lt3A_1002 = arith.cmpi slt, %select_n3A_995, %lt3A_1001 : i32
      %ne3A_1003 = arith.xori %lt3A_1000, %lt3A_1002 : i1
      %and3A_1004 = arith.andi %ne3A_1003, %ne3A_998 : i1
      %add3A_1005 = arith.addi %rem3A_996, %select_n3A_995 : i32
      %select_n3A_1006 = arith.select %and3A_1004, %add3A_1005, %rem3A_996 : i32
      %mul3A_1007 = arith.constant 32768 : i32
      %mul3A_1008 = arith.muli %select_n3A_966, %mul3A_1007 : i32
      %dma_wait3A_1009 = arith.constant 2 : i32
      %dma_wait3A_1010 = tpu.memref_slice %arg2[%select_n3A_990, %select_n3A_1006, %mul3A_1008] : memref<4x64x196608xf32, #tpu.memory_space<hbm>> -> memref<1x1x32768xf32, #tpu.memory_space<hbm>>
      %dma_wait3A_1011 = tpu.memref_squeeze %dma_wait3A_1010 : memref<1x1x32768xf32, #tpu.memory_space<hbm>> -> memref<32768xf32, #tpu.memory_space<hbm>>
      %dma_wait3A_1012 = tpu.memref_slice %arg10[%dma_wait3A_1009] : memref<3x!tpu.dma_semaphore, #tpu.memory_space<semaphore_mem>> -> memref<1x!tpu.dma_semaphore, #tpu.memory_space<semaphore_mem>>
      %dma_wait3A_1013 = tpu.memref_squeeze %dma_wait3A_1012 : memref<1x!tpu.dma_semaphore, #tpu.memory_space<semaphore_mem>> -> memref<!tpu.dma_semaphore, #tpu.memory_space<semaphore_mem>>
      %dma_wait3A_1014 = tpu.memref_slice %arg2[%select_n3A_990, %select_n3A_1006, %mul3A_1008] : memref<4x64x196608xf32, #tpu.memory_space<hbm>> -> memref<1x1x32768xf32, #tpu.memory_space<hbm>>
      %dma_wait3A_1015 = tpu.memref_squeeze %dma_wait3A_1014 : memref<1x1x32768xf32, #tpu.memory_space<hbm>> -> memref<32768xf32, #tpu.memory_space<hbm>>
      tpu.wait_dma2 semaphore(%dma_wait3A_1013 : memref<!tpu.dma_semaphore, #tpu.memory_space<semaphore_mem>>) src(%dma_wait3A_1015 : memref<32768xf32, #tpu.memory_space<hbm>>) dst(%arg6 : memref<32768xf32, #tpu.memory_space<vmem>>)
      %ge3A_1016 = arith.constant 3 : i32
      %ge3A_1017 = arith.cmpi sge, %add3A_916, %ge3A_1016 : i32
      %convert_element_type3A_1018 = arith.extui %ge3A_1017 : i1 to i32
      %cond3A_1019 = arith.constant 0 : i32
      %cond3A_1020 = arith.cmpi ne, %convert_element_type3A_1018, %cond3A_1019 : i32
      scf.if %cond3A_1020 {
        %sub3A_1118 = arith.constant 3 : i32
        %sub3A_1119 = arith.subi %add3A_916, %sub3A_1118 : i32
        %jit3A_1120 = arith.constant 6 : i32
        %div3A_1121 = arith.divsi %sub3A_1119, %jit3A_1120 : i32
        %sign3A_1122 = arith.constant 0 : i32
        %sign3A_1123 = arith.cmpi sgt, %sub3A_1119, %sign3A_1122 : i32
        %sign3A_1124 = arith.extui %sign3A_1123 : i1 to i32
        %sign3A_1125 = arith.constant 0 : i32
        %sign3A_1126 = arith.cmpi slt, %sub3A_1119, %sign3A_1125 : i32
        %sign3A_1127 = arith.extui %sign3A_1126 : i1 to i32
        %sign3A_1128 = arith.subi %sign3A_1124, %sign3A_1127 : i32
        %sign3A_1129 = arith.constant 0 : i32
        %sign3A_1130 = arith.cmpi sgt, %jit3A_1120, %sign3A_1129 : i32
        %sign3A_1131 = arith.extui %sign3A_1130 : i1 to i32
        %sign3A_1132 = arith.constant 0 : i32
        %sign3A_1133 = arith.cmpi slt, %jit3A_1120, %sign3A_1132 : i32
        %sign3A_1134 = arith.extui %sign3A_1133 : i1 to i32
        %sign3A_1135 = arith.subi %sign3A_1131, %sign3A_1134 : i32
        %ne3A_1136 = arith.cmpi ne, %sign3A_1128, %sign3A_1135 : i32
        %rem3A_1137 = arith.remsi %sub3A_1119, %jit3A_1120 : i32
        %ne3A_1138 = arith.constant 0 : i32
        %ne3A_1139 = arith.cmpi ne, %rem3A_1137, %ne3A_1138 : i32
        %and3A_1140 = arith.andi %ne3A_1136, %ne3A_1139 : i1
        %sub3A_1141 = arith.constant 1 : i32
        %sub3A_1142 = arith.subi %div3A_1121, %sub3A_1141 : i32
        %select_n3A_1143 = arith.select %and3A_1140, %sub3A_1142, %div3A_1121 : i32
        %add3A_1144 = arith.addi %mul3A_2, %select_n3A_1143 : i32
        %jit3A_1145 = arith.constant 6 : i32
        %eq3A_1146 = arith.constant 0 : i32
        %eq3A_1147 = arith.cmpi eq, %jit3A_1145, %eq3A_1146 : i32
        %jit3A_1148 = arith.constant 1 : i32
        %select_n3A_1149 = arith.select %eq3A_1147, %jit3A_1148, %jit3A_1145 : i32
        %rem3A_1150 = arith.remsi %sub3A_1119, %select_n3A_1149 : i32
        %ne3A_1151 = arith.constant 0 : i32
        %ne3A_1152 = arith.cmpi ne, %rem3A_1150, %ne3A_1151 : i32
        %lt3A_1153 = arith.constant 0 : i32
        %lt3A_1154 = arith.cmpi slt, %rem3A_1150, %lt3A_1153 : i32
        %lt3A_1155 = arith.constant 0 : i32
        %lt3A_1156 = arith.cmpi slt, %select_n3A_1149, %lt3A_1155 : i32
        %ne3A_1157 = arith.xori %lt3A_1154, %lt3A_1156 : i1
        %and3A_1158 = arith.andi %ne3A_1157, %ne3A_1152 : i1
        %add3A_1159 = arith.addi %rem3A_1150, %select_n3A_1149 : i32
        %select_n3A_1160 = arith.select %and3A_1158, %add3A_1159, %rem3A_1150 : i32
        %jit3A_1161 = arith.constant 64 : i32
        %div3A_1162 = arith.divsi %add3A_1144, %jit3A_1161 : i32
        %sign3A_1163 = arith.constant 0 : i32
        %sign3A_1164 = arith.cmpi sgt, %add3A_1144, %sign3A_1163 : i32
        %sign3A_1165 = arith.extui %sign3A_1164 : i1 to i32
        %sign3A_1166 = arith.constant 0 : i32
        %sign3A_1167 = arith.cmpi slt, %add3A_1144, %sign3A_1166 : i32
        %sign3A_1168 = arith.extui %sign3A_1167 : i1 to i32
        %sign3A_1169 = arith.subi %sign3A_1165, %sign3A_1168 : i32
        %sign3A_1170 = arith.constant 0 : i32
        %sign3A_1171 = arith.cmpi sgt, %jit3A_1161, %sign3A_1170 : i32
        %sign3A_1172 = arith.extui %sign3A_1171 : i1 to i32
        %sign3A_1173 = arith.constant 0 : i32
        %sign3A_1174 = arith.cmpi slt, %jit3A_1161, %sign3A_1173 : i32
        %sign3A_1175 = arith.extui %sign3A_1174 : i1 to i32
        %sign3A_1176 = arith.subi %sign3A_1172, %sign3A_1175 : i32
        %ne3A_1177 = arith.cmpi ne, %sign3A_1169, %sign3A_1176 : i32
        %rem3A_1178 = arith.remsi %add3A_1144, %jit3A_1161 : i32
        %ne3A_1179 = arith.constant 0 : i32
        %ne3A_1180 = arith.cmpi ne, %rem3A_1178, %ne3A_1179 : i32
        %and3A_1181 = arith.andi %ne3A_1177, %ne3A_1180 : i1
        %sub3A_1182 = arith.constant 1 : i32
        %sub3A_1183 = arith.subi %div3A_1162, %sub3A_1182 : i32
        %select_n3A_1184 = arith.select %and3A_1181, %sub3A_1183, %div3A_1162 : i32
        %jit3A_1185 = arith.constant 64 : i32
        %eq3A_1186 = arith.constant 0 : i32
        %eq3A_1187 = arith.cmpi eq, %jit3A_1185, %eq3A_1186 : i32
        %jit3A_1188 = arith.constant 1 : i32
        %select_n3A_1189 = arith.select %eq3A_1187, %jit3A_1188, %jit3A_1185 : i32
        %rem3A_1190 = arith.remsi %add3A_1144, %select_n3A_1189 : i32
        %ne3A_1191 = arith.constant 0 : i32
        %ne3A_1192 = arith.cmpi ne, %rem3A_1190, %ne3A_1191 : i32
        %lt3A_1193 = arith.constant 0 : i32
        %lt3A_1194 = arith.cmpi slt, %rem3A_1190, %lt3A_1193 : i32
        %lt3A_1195 = arith.constant 0 : i32
        %lt3A_1196 = arith.cmpi slt, %select_n3A_1189, %lt3A_1195 : i32
        %ne3A_1197 = arith.xori %lt3A_1194, %lt3A_1196 : i1
        %and3A_1198 = arith.andi %ne3A_1197, %ne3A_1192 : i1
        %add3A_1199 = arith.addi %rem3A_1190, %select_n3A_1189 : i32
        %select_n3A_1200 = arith.select %and3A_1198, %add3A_1199, %rem3A_1190 : i32
        %mul3A_1201 = arith.constant 8192 : i32
        %mul3A_1202 = arith.muli %select_n3A_1160, %mul3A_1201 : i32
        %dma_wait3A_1203 = arith.constant 2 : i32
        %dma_wait3A_1204 = arith.constant 0 : i32
        %dma_wait3A_1205 = tpu.memref_slice %arg9[%dma_wait3A_1204] : memref<8208xf32, #tpu.memory_space<vmem>> -> memref<8192xf32, #tpu.memory_space<vmem>>
        %dma_wait3A_1206 = tpu.memref_slice %arg3[%select_n3A_1184, %select_n3A_1200, %mul3A_1202] : memref<4x64x49152xf32, #tpu.memory_space<hbm>> -> memref<1x1x8192xf32, #tpu.memory_space<hbm>>
        %dma_wait3A_1207 = tpu.memref_squeeze %dma_wait3A_1206 : memref<1x1x8192xf32, #tpu.memory_space<hbm>> -> memref<8192xf32, #tpu.memory_space<hbm>>
        %dma_wait3A_1208 = tpu.memref_slice %arg11[%dma_wait3A_1203] : memref<3x!tpu.dma_semaphore, #tpu.memory_space<semaphore_mem>> -> memref<1x!tpu.dma_semaphore, #tpu.memory_space<semaphore_mem>>
        %dma_wait3A_1209 = tpu.memref_squeeze %dma_wait3A_1208 : memref<1x!tpu.dma_semaphore, #tpu.memory_space<semaphore_mem>> -> memref<!tpu.dma_semaphore, #tpu.memory_space<semaphore_mem>>
        %dma_wait3A_1210 = tpu.memref_slice %arg3[%select_n3A_1184, %select_n3A_1200, %mul3A_1202] : memref<4x64x49152xf32, #tpu.memory_space<hbm>> -> memref<1x1x8192xf32, #tpu.memory_space<hbm>>
        %dma_wait3A_1211 = tpu.memref_squeeze %dma_wait3A_1210 : memref<1x1x8192xf32, #tpu.memory_space<hbm>> -> memref<8192xf32, #tpu.memory_space<hbm>>
        %dma_wait3A_1212 = arith.constant 0 : i32
        %dma_wait3A_1213 = tpu.memref_slice %arg9[%dma_wait3A_1212] : memref<8208xf32, #tpu.memory_space<vmem>> -> memref<8192xf32, #tpu.memory_space<vmem>>
        tpu.wait_dma2 semaphore(%dma_wait3A_1209 : memref<!tpu.dma_semaphore, #tpu.memory_space<semaphore_mem>>) src(%dma_wait3A_1213 : memref<8192xf32, #tpu.memory_space<vmem>>) dst(%dma_wait3A_1211 : memref<8192xf32, #tpu.memory_space<hbm>>)
      } else {
      }
      %parallel_loop3A_1021 = arith.constant 0 : i32
      %parallel_loop3A_1022 = arith.constant 512 : i32
      %parallel_loop3A_1023 = arith.constant 1 : i32
      scf.for %parallel_loop3A_1118 = %parallel_loop3A_1021 to %parallel_loop3A_1022 step %parallel_loop3A_1023  : i32 {
        %parallel_loop3A_1119 = arith.constant 64 : i32
        %parallel_loop3A_1120 = arith.muli %parallel_loop3A_1118, %parallel_loop3A_1119 : i32
        %parallel_loop3A_1121 = vector.broadcast %parallel_loop3A_1120 : i32 to vector<16xi32>
        %parallel_loop3A_1122 = arith.addi %parallel_loop3A_1121, %add3A_52 : vector<16xi32>
        %parallel_loop3A_1123 = tpu.vector_load_idx %arg6[%parallel_loop3A_1122] : memref<32768xf32, #tpu.memory_space<vmem>>[vector<16xi32>], vector<16xf32>,
        %parallel_loop3A_1124 = vector.broadcast %parallel_loop3A_1120 : i32 to vector<16xi32>
        %parallel_loop3A_1125 = arith.addi %parallel_loop3A_1124, %add3A_112 : vector<16xi32>
        %parallel_loop3A_1126 = tpu.vector_load_idx %arg6[%parallel_loop3A_1125] : memref<32768xf32, #tpu.memory_space<vmem>>[vector<16xi32>], vector<16xf32>,
        %parallel_loop3A_1127 = vector.broadcast %parallel_loop3A_1120 : i32 to vector<16xi32>
        %parallel_loop3A_1128 = arith.addi %parallel_loop3A_1127, %add3A_172 : vector<16xi32>
        %parallel_loop3A_1129 = tpu.vector_load_idx %arg6[%parallel_loop3A_1128] : memref<32768xf32, #tpu.memory_space<vmem>>[vector<16xi32>], vector<16xf32>,
        %parallel_loop3A_1130 = vector.broadcast %parallel_loop3A_1120 : i32 to vector<16xi32>
        %parallel_loop3A_1131 = arith.addi %parallel_loop3A_1130, %add3A_232 : vector<16xi32>
        %parallel_loop3A_1132 = tpu.vector_load_idx %arg6[%parallel_loop3A_1131] : memref<32768xf32, #tpu.memory_space<vmem>>[vector<16xi32>], vector<16xf32>,
        %parallel_loop3A_1133 = arith.maximumf %parallel_loop3A_1123, %parallel_loop3A_1126 : vector<16xf32>
        %parallel_loop3A_1134 = arith.maximumf %parallel_loop3A_1129, %parallel_loop3A_1132 : vector<16xf32>
        %parallel_loop3A_1135 = arith.maximumf %parallel_loop3A_1133, %parallel_loop3A_1134 : vector<16xf32>
        %parallel_loop3A_1136 = arith.constant 16 : i32
        %parallel_loop3A_1137 = arith.muli %parallel_loop3A_1118, %parallel_loop3A_1136 : i32
        %parallel_loop3A_1138 = arith.index_cast %parallel_loop3A_1137 : i32 to index
        %parallel_loop3A_1139 = tpu.vector_load %arg9[%parallel_loop3A_1138] {strides = array<i32>} : memref<8208xf32, #tpu.memory_space<vmem>>, vector<16xf32>,
        tpu.vector_store %arg9[%parallel_loop3A_1138], %parallel_loop3A_1135 {strides = array<i32>} : memref<8208xf32, #tpu.memory_space<vmem>>, vector<16xf32>,
      } {sc.loop_unroll_factor = 8 : i64, sc.parallel_access}
      %jit3A_1024 = arith.constant 6 : i32
      %div3A_1025 = arith.divsi %add3A_916, %jit3A_1024 : i32
      %sign3A_1026 = arith.constant 0 : i32
      %sign3A_1027 = arith.cmpi sgt, %add3A_916, %sign3A_1026 : i32
      %sign3A_1028 = arith.extui %sign3A_1027 : i1 to i32
      %sign3A_1029 = arith.constant 0 : i32
      %sign3A_1030 = arith.cmpi slt, %add3A_916, %sign3A_1029 : i32
      %sign3A_1031 = arith.extui %sign3A_1030 : i1 to i32
      %sign3A_1032 = arith.subi %sign3A_1028, %sign3A_1031 : i32
      %sign3A_1033 = arith.constant 0 : i32
      %sign3A_1034 = arith.cmpi sgt, %jit3A_1024, %sign3A_1033 : i32
      %sign3A_1035 = arith.extui %sign3A_1034 : i1 to i32
      %sign3A_1036 = arith.constant 0 : i32
      %sign3A_1037 = arith.cmpi slt, %jit3A_1024, %sign3A_1036 : i32
      %sign3A_1038 = arith.extui %sign3A_1037 : i1 to i32
      %sign3A_1039 = arith.subi %sign3A_1035, %sign3A_1038 : i32
      %ne3A_1040 = arith.cmpi ne, %sign3A_1032, %sign3A_1039 : i32
      %rem3A_1041 = arith.remsi %add3A_916, %jit3A_1024 : i32
      %ne3A_1042 = arith.constant 0 : i32
      %ne3A_1043 = arith.cmpi ne, %rem3A_1041, %ne3A_1042 : i32
      %and3A_1044 = arith.andi %ne3A_1040, %ne3A_1043 : i1
      %sub3A_1045 = arith.constant 1 : i32
      %sub3A_1046 = arith.subi %div3A_1025, %sub3A_1045 : i32
      %select_n3A_1047 = arith.select %and3A_1044, %sub3A_1046, %div3A_1025 : i32
      %add3A_1048 = arith.addi %mul3A_2, %select_n3A_1047 : i32
      %jit3A_1049 = arith.constant 6 : i32
      %eq3A_1050 = arith.constant 0 : i32
      %eq3A_1051 = arith.cmpi eq, %jit3A_1049, %eq3A_1050 : i32
      %jit3A_1052 = arith.constant 1 : i32
      %select_n3A_1053 = arith.select %eq3A_1051, %jit3A_1052, %jit3A_1049 : i32
      %rem3A_1054 = arith.remsi %add3A_916, %select_n3A_1053 : i32
      %ne3A_1055 = arith.constant 0 : i32
      %ne3A_1056 = arith.cmpi ne, %rem3A_1054, %ne3A_1055 : i32
      %lt3A_1057 = arith.constant 0 : i32
      %lt3A_1058 = arith.cmpi slt, %rem3A_1054, %lt3A_1057 : i32
      %lt3A_1059 = arith.constant 0 : i32
      %lt3A_1060 = arith.cmpi slt, %select_n3A_1053, %lt3A_1059 : i32
      %ne3A_1061 = arith.xori %lt3A_1058, %lt3A_1060 : i1
      %and3A_1062 = arith.andi %ne3A_1061, %ne3A_1056 : i1
      %add3A_1063 = arith.addi %rem3A_1054, %select_n3A_1053 : i32
      %select_n3A_1064 = arith.select %and3A_1062, %add3A_1063, %rem3A_1054 : i32
      %jit3A_1065 = arith.constant 64 : i32
      %div3A_1066 = arith.divsi %add3A_1048, %jit3A_1065 : i32
      %sign3A_1067 = arith.constant 0 : i32
      %sign3A_1068 = arith.cmpi sgt, %add3A_1048, %sign3A_1067 : i32
      %sign3A_1069 = arith.extui %sign3A_1068 : i1 to i32
      %sign3A_1070 = arith.constant 0 : i32
      %sign3A_1071 = arith.cmpi slt, %add3A_1048, %sign3A_1070 : i32
      %sign3A_1072 = arith.extui %sign3A_1071 : i1 to i32
      %sign3A_1073 = arith.subi %sign3A_1069, %sign3A_1072 : i32
      %sign3A_1074 = arith.constant 0 : i32
      %sign3A_1075 = arith.cmpi sgt, %jit3A_1065, %sign3A_1074 : i32
      %sign3A_1076 = arith.extui %sign3A_1075 : i1 to i32
      %sign3A_1077 = arith.constant 0 : i32
      %sign3A_1078 = arith.cmpi slt, %jit3A_1065, %sign3A_1077 : i32
      %sign3A_1079 = arith.extui %sign3A_1078 : i1 to i32
      %sign3A_1080 = arith.subi %sign3A_1076, %sign3A_1079 : i32
      %ne3A_1081 = arith.cmpi ne, %sign3A_1073, %sign3A_1080 : i32
      %rem3A_1082 = arith.remsi %add3A_1048, %jit3A_1065 : i32
      %ne3A_1083 = arith.constant 0 : i32
      %ne3A_1084 = arith.cmpi ne, %rem3A_1082, %ne3A_1083 : i32
      %and3A_1085 = arith.andi %ne3A_1081, %ne3A_1084 : i1
      %sub3A_1086 = arith.constant 1 : i32
      %sub3A_1087 = arith.subi %div3A_1066, %sub3A_1086 : i32
      %select_n3A_1088 = arith.select %and3A_1085, %sub3A_1087, %div3A_1066 : i32
      %jit3A_1089 = arith.constant 64 : i32
      %eq3A_1090 = arith.constant 0 : i32
      %eq3A_1091 = arith.cmpi eq, %jit3A_1089, %eq3A_1090 : i32
      %jit3A_1092 = arith.constant 1 : i32
      %select_n3A_1093 = arith.select %eq3A_1091, %jit3A_1092, %jit3A_1089 : i32
      %rem3A_1094 = arith.remsi %add3A_1048, %select_n3A_1093 : i32
      %ne3A_1095 = arith.constant 0 : i32
      %ne3A_1096 = arith.cmpi ne, %rem3A_1094, %ne3A_1095 : i32
      %lt3A_1097 = arith.constant 0 : i32
      %lt3A_1098 = arith.cmpi slt, %rem3A_1094, %lt3A_1097 : i32
      %lt3A_1099 = arith.constant 0 : i32
      %lt3A_1100 = arith.cmpi slt, %select_n3A_1093, %lt3A_1099 : i32
      %ne3A_1101 = arith.xori %lt3A_1098, %lt3A_1100 : i1
      %and3A_1102 = arith.andi %ne3A_1101, %ne3A_1096 : i1
      %add3A_1103 = arith.addi %rem3A_1094, %select_n3A_1093 : i32
      %select_n3A_1104 = arith.select %and3A_1102, %add3A_1103, %rem3A_1094 : i32
      %mul3A_1105 = arith.constant 8192 : i32
      %mul3A_1106 = arith.muli %select_n3A_1064, %mul3A_1105 : i32
      %dma_start3A_1107 = arith.constant 2 : i32
      %dma_start3A_1108 = arith.constant 0 : i32
      %dma_start3A_1109 = tpu.memref_slice %arg9[%dma_start3A_1108] : memref<8208xf32, #tpu.memory_space<vmem>> -> memref<8192xf32, #tpu.memory_space<vmem>>
      %dma_start3A_1110 = tpu.memref_slice %arg3[%select_n3A_1088, %select_n3A_1104, %mul3A_1106] : memref<4x64x49152xf32, #tpu.memory_space<hbm>> -> memref<1x1x8192xf32, #tpu.memory_space<hbm>>
      %dma_start3A_1111 = tpu.memref_squeeze %dma_start3A_1110 : memref<1x1x8192xf32, #tpu.memory_space<hbm>> -> memref<8192xf32, #tpu.memory_space<hbm>>
      %dma_start3A_1112 = tpu.memref_slice %arg11[%dma_start3A_1107] : memref<3x!tpu.dma_semaphore, #tpu.memory_space<semaphore_mem>> -> memref<1x!tpu.dma_semaphore, #tpu.memory_space<semaphore_mem>>
      %dma_start3A_1113 = tpu.memref_squeeze %dma_start3A_1112 : memref<1x!tpu.dma_semaphore, #tpu.memory_space<semaphore_mem>> -> memref<!tpu.dma_semaphore, #tpu.memory_space<semaphore_mem>>
      %dma_start3A_1114 = tpu.memref_slice %arg3[%select_n3A_1088, %select_n3A_1104, %mul3A_1106] : memref<4x64x49152xf32, #tpu.memory_space<hbm>> -> memref<1x1x8192xf32, #tpu.memory_space<hbm>>
      %dma_start3A_1115 = tpu.memref_squeeze %dma_start3A_1114 : memref<1x1x8192xf32, #tpu.memory_space<hbm>> -> memref<8192xf32, #tpu.memory_space<hbm>>
      %dma_start3A_1116 = arith.constant 0 : i32
      %dma_start3A_1117 = tpu.memref_slice %arg9[%dma_start3A_1116] : memref<8208xf32, #tpu.memory_space<vmem>> -> memref<8192xf32, #tpu.memory_space<vmem>>
      tpu.enqueue_dma source(%dma_start3A_1117 : memref<8192xf32, #tpu.memory_space<vmem>>) target(%dma_start3A_1115 : memref<8192xf32, #tpu.memory_space<hbm>>) target_semaphore(%dma_start3A_1113 : memref<!tpu.dma_semaphore, #tpu.memory_space<semaphore_mem>>)
    }
    %scan3A_337 = arith.constant 16 : i32
    %add3A_338 = arith.constant 7 : i32
    %add3A_339 = arith.addi %mul3A_2, %add3A_338 : i32
    %jit3A_340 = arith.constant 64 : i32
    %div3A_341 = arith.divsi %add3A_339, %jit3A_340 : i32
    %sign3A_342 = arith.constant 0 : i32
    %sign3A_343 = arith.cmpi sgt, %add3A_339, %sign3A_342 : i32
    %sign3A_344 = arith.extui %sign3A_343 : i1 to i32
    %sign3A_345 = arith.constant 0 : i32
    %sign3A_346 = arith.cmpi slt, %add3A_339, %sign3A_345 : i32
    %sign3A_347 = arith.extui %sign3A_346 : i1 to i32
    %sign3A_348 = arith.subi %sign3A_344, %sign3A_347 : i32
    %sign3A_349 = arith.constant 0 : i32
    %sign3A_350 = arith.cmpi sgt, %jit3A_340, %sign3A_349 : i32
    %sign3A_351 = arith.extui %sign3A_350 : i1 to i32
    %sign3A_352 = arith.constant 0 : i32
    %sign3A_353 = arith.cmpi slt, %jit3A_340, %sign3A_352 : i32
    %sign3A_354 = arith.extui %sign3A_353 : i1 to i32
    %sign3A_355 = arith.subi %sign3A_351, %sign3A_354 : i32
    %ne3A_356 = arith.cmpi ne, %sign3A_348, %sign3A_355 : i32
    %rem3A_357 = arith.remsi %add3A_339, %jit3A_340 : i32
    %ne3A_358 = arith.constant 0 : i32
    %ne3A_359 = arith.cmpi ne, %rem3A_357, %ne3A_358 : i32
    %and3A_360 = arith.andi %ne3A_356, %ne3A_359 : i1
    %sub3A_361 = arith.constant 1 : i32
    %sub3A_362 = arith.subi %div3A_341, %sub3A_361 : i32
    %select_n3A_363 = arith.select %and3A_360, %sub3A_362, %div3A_341 : i32
    %jit3A_364 = arith.constant 64 : i32
    %eq3A_365 = arith.constant 0 : i32
    %eq3A_366 = arith.cmpi eq, %jit3A_364, %eq3A_365 : i32
    %jit3A_367 = arith.constant 1 : i32
    %select_n3A_368 = arith.select %eq3A_366, %jit3A_367, %jit3A_364 : i32
    %rem3A_369 = arith.remsi %add3A_339, %select_n3A_368 : i32
    %ne3A_370 = arith.constant 0 : i32
    %ne3A_371 = arith.cmpi ne, %rem3A_369, %ne3A_370 : i32
    %lt3A_372 = arith.constant 0 : i32
    %lt3A_373 = arith.cmpi slt, %rem3A_369, %lt3A_372 : i32
    %lt3A_374 = arith.constant 0 : i32
    %lt3A_375 = arith.cmpi slt, %select_n3A_368, %lt3A_374 : i32
    %ne3A_376 = arith.xori %lt3A_373, %lt3A_375 : i1
    %and3A_377 = arith.andi %ne3A_376, %ne3A_371 : i1
    %add3A_378 = arith.addi %rem3A_369, %select_n3A_368 : i32
    %select_n3A_379 = arith.select %and3A_377, %add3A_378, %rem3A_369 : i32
    %dma_wait3A = arith.constant 0 : i32
    %dma_wait3A_380 = arith.constant 0 : i32
    %dma_wait3A_381 = tpu.memref_slice %arg7[%dma_wait3A_380] : memref<8208xf32, #tpu.memory_space<vmem>> -> memref<8192xf32, #tpu.memory_space<vmem>>
    %dma_wait3A_382 = arith.constant 24576 : i32
    %dma_wait3A_383 = tpu.memref_slice %arg3[%select_n3A_363, %select_n3A_379, %dma_wait3A_382] : memref<4x64x49152xf32, #tpu.memory_space<hbm>> -> memref<1x1x8192xf32, #tpu.memory_space<hbm>>
    %dma_wait3A_384 = tpu.memref_squeeze %dma_wait3A_383 : memref<1x1x8192xf32, #tpu.memory_space<hbm>> -> memref<8192xf32, #tpu.memory_space<hbm>>
    %dma_wait3A_385 = tpu.memref_slice %arg11[%dma_wait3A] : memref<3x!tpu.dma_semaphore, #tpu.memory_space<semaphore_mem>> -> memref<1x!tpu.dma_semaphore, #tpu.memory_space<semaphore_mem>>
    %dma_wait3A_386 = tpu.memref_squeeze %dma_wait3A_385 : memref<1x!tpu.dma_semaphore, #tpu.memory_space<semaphore_mem>> -> memref<!tpu.dma_semaphore, #tpu.memory_space<semaphore_mem>>
    %dma_wait3A_387 = arith.constant 24576 : i32
    %dma_wait3A_388 = tpu.memref_slice %arg3[%select_n3A_363, %select_n3A_379, %dma_wait3A_387] : memref<4x64x49152xf32, #tpu.memory_space<hbm>> -> memref<1x1x8192xf32, #tpu.memory_space<hbm>>
    %dma_wait3A_389 = tpu.memref_squeeze %dma_wait3A_388 : memref<1x1x8192xf32, #tpu.memory_space<hbm>> -> memref<8192xf32, #tpu.memory_space<hbm>>
    %dma_wait3A_390 = arith.constant 0 : i32
    %dma_wait3A_391 = tpu.memref_slice %arg7[%dma_wait3A_390] : memref<8208xf32, #tpu.memory_space<vmem>> -> memref<8192xf32, #tpu.memory_space<vmem>>
    tpu.wait_dma2 semaphore(%dma_wait3A_386 : memref<!tpu.dma_semaphore, #tpu.memory_space<semaphore_mem>>) src(%dma_wait3A_391 : memref<8192xf32, #tpu.memory_space<vmem>>) dst(%dma_wait3A_389 : memref<8192xf32, #tpu.memory_space<hbm>>)
    %add3A_392 = arith.constant 7 : i32
    %add3A_393 = arith.addi %mul3A_2, %add3A_392 : i32
    %jit3A_394 = arith.constant 64 : i32
    %div3A_395 = arith.divsi %add3A_393, %jit3A_394 : i32
    %sign3A_396 = arith.constant 0 : i32
    %sign3A_397 = arith.cmpi sgt, %add3A_393, %sign3A_396 : i32
    %sign3A_398 = arith.extui %sign3A_397 : i1 to i32
    %sign3A_399 = arith.constant 0 : i32
    %sign3A_400 = arith.cmpi slt, %add3A_393, %sign3A_399 : i32
    %sign3A_401 = arith.extui %sign3A_400 : i1 to i32
    %sign3A_402 = arith.subi %sign3A_398, %sign3A_401 : i32
    %sign3A_403 = arith.constant 0 : i32
    %sign3A_404 = arith.cmpi sgt, %jit3A_394, %sign3A_403 : i32
    %sign3A_405 = arith.extui %sign3A_404 : i1 to i32
    %sign3A_406 = arith.constant 0 : i32
    %sign3A_407 = arith.cmpi slt, %jit3A_394, %sign3A_406 : i32
    %sign3A_408 = arith.extui %sign3A_407 : i1 to i32
    %sign3A_409 = arith.subi %sign3A_405, %sign3A_408 : i32
    %ne3A_410 = arith.cmpi ne, %sign3A_402, %sign3A_409 : i32
    %rem3A_411 = arith.remsi %add3A_393, %jit3A_394 : i32
    %ne3A_412 = arith.constant 0 : i32
    %ne3A_413 = arith.cmpi ne, %rem3A_411, %ne3A_412 : i32
    %and3A_414 = arith.andi %ne3A_410, %ne3A_413 : i1
    %sub3A_415 = arith.constant 1 : i32
    %sub3A_416 = arith.subi %div3A_395, %sub3A_415 : i32
    %select_n3A_417 = arith.select %and3A_414, %sub3A_416, %div3A_395 : i32
    %jit3A_418 = arith.constant 64 : i32
    %eq3A_419 = arith.constant 0 : i32
    %eq3A_420 = arith.cmpi eq, %jit3A_418, %eq3A_419 : i32
    %jit3A_421 = arith.constant 1 : i32
    %select_n3A_422 = arith.select %eq3A_420, %jit3A_421, %jit3A_418 : i32
    %rem3A_423 = arith.remsi %add3A_393, %select_n3A_422 : i32
    %ne3A_424 = arith.constant 0 : i32
    %ne3A_425 = arith.cmpi ne, %rem3A_423, %ne3A_424 : i32
    %lt3A_426 = arith.constant 0 : i32
    %lt3A_427 = arith.cmpi slt, %rem3A_423, %lt3A_426 : i32
    %lt3A_428 = arith.constant 0 : i32
    %lt3A_429 = arith.cmpi slt, %select_n3A_422, %lt3A_428 : i32
    %ne3A_430 = arith.xori %lt3A_427, %lt3A_429 : i1
    %and3A_431 = arith.andi %ne3A_430, %ne3A_425 : i1
    %add3A_432 = arith.addi %rem3A_423, %select_n3A_422 : i32
    %select_n3A_433 = arith.select %and3A_431, %add3A_432, %rem3A_423 : i32
    %dma_wait3A_434 = arith.constant 1 : i32
    %dma_wait3A_435 = arith.constant 0 : i32
    %dma_wait3A_436 = tpu.memref_slice %arg8[%dma_wait3A_435] : memref<8208xf32, #tpu.memory_space<vmem>> -> memref<8192xf32, #tpu.memory_space<vmem>>
    %dma_wait3A_437 = arith.constant 32768 : i32
    %dma_wait3A_438 = tpu.memref_slice %arg3[%select_n3A_417, %select_n3A_433, %dma_wait3A_437] : memref<4x64x49152xf32, #tpu.memory_space<hbm>> -> memref<1x1x8192xf32, #tpu.memory_space<hbm>>
    %dma_wait3A_439 = tpu.memref_squeeze %dma_wait3A_438 : memref<1x1x8192xf32, #tpu.memory_space<hbm>> -> memref<8192xf32, #tpu.memory_space<hbm>>
    %dma_wait3A_440 = tpu.memref_slice %arg11[%dma_wait3A_434] : memref<3x!tpu.dma_semaphore, #tpu.memory_space<semaphore_mem>> -> memref<1x!tpu.dma_semaphore, #tpu.memory_space<semaphore_mem>>
    %dma_wait3A_441 = tpu.memref_squeeze %dma_wait3A_440 : memref<1x!tpu.dma_semaphore, #tpu.memory_space<semaphore_mem>> -> memref<!tpu.dma_semaphore, #tpu.memory_space<semaphore_mem>>
    %dma_wait3A_442 = arith.constant 32768 : i32
    %dma_wait3A_443 = tpu.memref_slice %arg3[%select_n3A_417, %select_n3A_433, %dma_wait3A_442] : memref<4x64x49152xf32, #tpu.memory_space<hbm>> -> memref<1x1x8192xf32, #tpu.memory_space<hbm>>
    %dma_wait3A_444 = tpu.memref_squeeze %dma_wait3A_443 : memref<1x1x8192xf32, #tpu.memory_space<hbm>> -> memref<8192xf32, #tpu.memory_space<hbm>>
    %dma_wait3A_445 = arith.constant 0 : i32
    %dma_wait3A_446 = tpu.memref_slice %arg8[%dma_wait3A_445] : memref<8208xf32, #tpu.memory_space<vmem>> -> memref<8192xf32, #tpu.memory_space<vmem>>
    tpu.wait_dma2 semaphore(%dma_wait3A_441 : memref<!tpu.dma_semaphore, #tpu.memory_space<semaphore_mem>>) src(%dma_wait3A_446 : memref<8192xf32, #tpu.memory_space<vmem>>) dst(%dma_wait3A_444 : memref<8192xf32, #tpu.memory_space<hbm>>)
    %add3A_447 = arith.constant 7 : i32
    %add3A_448 = arith.addi %mul3A_2, %add3A_447 : i32
    %jit3A_449 = arith.constant 64 : i32
    %div3A_450 = arith.divsi %add3A_448, %jit3A_449 : i32
    %sign3A_451 = arith.constant 0 : i32
    %sign3A_452 = arith.cmpi sgt, %add3A_448, %sign3A_451 : i32
    %sign3A_453 = arith.extui %sign3A_452 : i1 to i32
    %sign3A_454 = arith.constant 0 : i32
    %sign3A_455 = arith.cmpi slt, %add3A_448, %sign3A_454 : i32
    %sign3A_456 = arith.extui %sign3A_455 : i1 to i32
    %sign3A_457 = arith.subi %sign3A_453, %sign3A_456 : i32
    %sign3A_458 = arith.constant 0 : i32
    %sign3A_459 = arith.cmpi sgt, %jit3A_449, %sign3A_458 : i32
    %sign3A_460 = arith.extui %sign3A_459 : i1 to i32
    %sign3A_461 = arith.constant 0 : i32
    %sign3A_462 = arith.cmpi slt, %jit3A_449, %sign3A_461 : i32
    %sign3A_463 = arith.extui %sign3A_462 : i1 to i32
    %sign3A_464 = arith.subi %sign3A_460, %sign3A_463 : i32
    %ne3A_465 = arith.cmpi ne, %sign3A_457, %sign3A_464 : i32
    %rem3A_466 = arith.remsi %add3A_448, %jit3A_449 : i32
    %ne3A_467 = arith.constant 0 : i32
    %ne3A_468 = arith.cmpi ne, %rem3A_466, %ne3A_467 : i32
    %and3A_469 = arith.andi %ne3A_465, %ne3A_468 : i1
    %sub3A_470 = arith.constant 1 : i32
    %sub3A_471 = arith.subi %div3A_450, %sub3A_470 : i32
    %select_n3A_472 = arith.select %and3A_469, %sub3A_471, %div3A_450 : i32
    %jit3A_473 = arith.constant 64 : i32
    %eq3A_474 = arith.constant 0 : i32
    %eq3A_475 = arith.cmpi eq, %jit3A_473, %eq3A_474 : i32
    %jit3A_476 = arith.constant 1 : i32
    %select_n3A_477 = arith.select %eq3A_475, %jit3A_476, %jit3A_473 : i32
    %rem3A_478 = arith.remsi %add3A_448, %select_n3A_477 : i32
    %ne3A_479 = arith.constant 0 : i32
    %ne3A_480 = arith.cmpi ne, %rem3A_478, %ne3A_479 : i32
    %lt3A_481 = arith.constant 0 : i32
    %lt3A_482 = arith.cmpi slt, %rem3A_478, %lt3A_481 : i32
    %lt3A_483 = arith.constant 0 : i32
    %lt3A_484 = arith.cmpi slt, %select_n3A_477, %lt3A_483 : i32
    %ne3A_485 = arith.xori %lt3A_482, %lt3A_484 : i1
    %and3A_486 = arith.andi %ne3A_485, %ne3A_480 : i1
    %add3A_487 = arith.addi %rem3A_478, %select_n3A_477 : i32
    %select_n3A_488 = arith.select %and3A_486, %add3A_487, %rem3A_478 : i32
    %dma_wait3A_489 = arith.constant 2 : i32
    %dma_wait3A_490 = arith.constant 0 : i32
    %dma_wait3A_491 = tpu.memref_slice %arg9[%dma_wait3A_490] : memref<8208xf32, #tpu.memory_space<vmem>> -> memref<8192xf32, #tpu.memory_space<vmem>>
    %dma_wait3A_492 = arith.constant 40960 : i32
    %dma_wait3A_493 = tpu.memref_slice %arg3[%select_n3A_472, %select_n3A_488, %dma_wait3A_492] : memref<4x64x49152xf32, #tpu.memory_space<hbm>> -> memref<1x1x8192xf32, #tpu.memory_space<hbm>>
    %dma_wait3A_494 = tpu.memref_squeeze %dma_wait3A_493 : memref<1x1x8192xf32, #tpu.memory_space<hbm>> -> memref<8192xf32, #tpu.memory_space<hbm>>
    %dma_wait3A_495 = tpu.memref_slice %arg11[%dma_wait3A_489] : memref<3x!tpu.dma_semaphore, #tpu.memory_space<semaphore_mem>> -> memref<1x!tpu.dma_semaphore, #tpu.memory_space<semaphore_mem>>
    %dma_wait3A_496 = tpu.memref_squeeze %dma_wait3A_495 : memref<1x!tpu.dma_semaphore, #tpu.memory_space<semaphore_mem>> -> memref<!tpu.dma_semaphore, #tpu.memory_space<semaphore_mem>>
    %dma_wait3A_497 = arith.constant 40960 : i32
    %dma_wait3A_498 = tpu.memref_slice %arg3[%select_n3A_472, %select_n3A_488, %dma_wait3A_497] : memref<4x64x49152xf32, #tpu.memory_space<hbm>> -> memref<1x1x8192xf32, #tpu.memory_space<hbm>>
    %dma_wait3A_499 = tpu.memref_squeeze %dma_wait3A_498 : memref<1x1x8192xf32, #tpu.memory_space<hbm>> -> memref<8192xf32, #tpu.memory_space<hbm>>
    %dma_wait3A_500 = arith.constant 0 : i32
    %dma_wait3A_501 = tpu.memref_slice %arg9[%dma_wait3A_500] : memref<8208xf32, #tpu.memory_space<vmem>> -> memref<8192xf32, #tpu.memory_space<vmem>>
    tpu.wait_dma2 semaphore(%dma_wait3A_496 : memref<!tpu.dma_semaphore, #tpu.memory_space<semaphore_mem>>) src(%dma_wait3A_501 : memref<8192xf32, #tpu.memory_space<vmem>>) dst(%dma_wait3A_499 : memref<8192xf32, #tpu.memory_space<hbm>>)
    return
  }
}

</mosaic_0001>

<sc_bundles>
// kernel: kernel.3.cloned.1.call-start
scs
__scs_entry_jumppad:
0x0: {  	(pc) =	sbr.rel $0x88, $3  }
0x1: {  	(tag) =	ssettag $0x0;
	lr =	simm.s32 $0x1  }
0x2: {  	[smem:$0x3FA0] =	sst lr;
	_ =	strace $0xD0000000  }
0x3: {  	_ = 	snop  }
0x4: {  	_ = 	snop  }
0x5: {  	_ = 	snop  }
0x6: {  	_ = 	snop  }
0x7: {  	_ = 	snop  }
__scs_overlays_trampoline_lowered:
0x8: {  	[smem:$0x3FAF] =	sst s0  }
0x9: {  	[smem:$0x3FB0] =	sst s1  }
0xa: {  	[smem:$0x3FB1] =	sst s2  }
0xb: {  	[smem:$0x3FB2] =	sst s3  }
0xc: {  	[smem:$0x3FB3] =	sst s4  }
0xd: {  	[smem:$0x3FB4] =	sst s5  }
0xe: {  	[smem:$0x3FB5] =	sst s6  }
0xf: {  	[smem:$0x3FB6] =	sst s7  }
0x10: {  	[smem:$0x3FB7] =	sst s8  }
0x11: {  	[smem:$0x3FB8] =	sst s9;
	s0 =	simm.s32 @!p0 $0x0  }
0x12: {  	s1 =	sld [smem:$0x3F9E];
	s0 =	simm.s32 @p0 $0x1  }
0x13: {  	[smem:$0x3FB9] =	sst s0;
	s0 =	simm.s32 @!p1 $0x0  }
0x14: {  	s2 =	sld [smem:$0x3F9D];
	s0 =	simm.s32 @p1 $0x1  }
0x15: {  	[smem:$0x3FBA] =	sst s0;
	s0 =	simm.s32 @!p2 $0x0  }
0x16: {  	s3 =	sld [smem:$0x3FDB];
	s0 =	simm.s32 @p2 $0x1  }
0x17: {  	s4 =	simm.s32 $0x1BF5;
	[smem:$0x3FBC] =	sst s0  }
0x18: {  	s0 =	sld [smem:$0x3F9F];
	_ =	swait.ge [sflag:s4], $0x0  }
0x19: {  	s7 =	sld [smem:$0x3FA0]  }
0x1a: {  	s8 =	sadd.s32 $0xFFFFE003, lr  }
0x1b: {  	s9 =	sadd.s32 $0xFFFFFEF7, lr;
	s5 =	simm.s32 $0xFFFFFFFF;
	p2 =	slt.u32 s8, $0xFFFFF086  }
0x1c: {  	p1 =	slt.u32 s9, $0xF7A;
	s5 =	simm.s32 @!p2 $0x0  }
0x1d: {  	s5 =	simm.s32 @p1 $0x1;
	p0 =	seq.s32 s7, s2  }
0x1e: {  	s7 =	smul.u32 @!p0 $0xF7A, s2;
	p2 =	seq.s32 @!p0 s5, $0x0  }
0x1f: {  	s9 =	smul.u32 $0xF7A, s1;
	s8 =	simm.s32 @!p0 $0x1BF5;
	p2 =	por !p2, p0  }
0x20: {  	[sflag:s8] =	ssyncset.s32 @!p0 $0xFFFFF086;
	s6 =	sadd.s32 @!p0 s3, s7;
	s7 =	simm.s32 @!p0 $0x108  }
0x21: {  	s3 =	sadd.s32 s3, s9;
	s6 =	sadd.s32 @!p0 $0x88, s6;
	s7 =	simm.s32 @p2 $0x1082  }
0x22: {  	[simem:s7], [sflag:s8] =	dma.local @!p0 [hbm:s6], $0xF7A  }
0x23: {  	s9 =	sor.u32 $0xD0000000, s2;
	s6 =	simm.s32 $0x108;
	_ =	swait.ge @!p0 [sflag:s8], $0x0  }
0x24: {  	s3 =	sadd.s32 $0x88, s3;
	s6 =	simm.s32 @!p1 $0x1082;
	[sflag:s4] =	ssyncset.s32 $0xFFFFF086  }
0x25: {  	[simem:s6], [sflag:s4] =	dma.local [hbm:s3], $0xF7A  }
0x26: {  	[smem:$0x3FA0] =	sst s1;
	(tag) =	ssettag s2;
	_ =	strace s9  }
0x27: {  	s1 =	sld [smem:$0x3FB0]  }
0x28: {  	s2 =	sld [smem:$0x3FB1]  }
0x29: {  	s4 =	sld [smem:$0x3FB3]  }
0x2a: {  	p0 =	seq.s32 s5, $0x0;
	s5 =	sld [smem:$0x3FB4]  }
0x2b: {  	s6 =	sld [smem:$0x3FB5]  }
0x2c: {  	s7 =	sld [smem:$0x3FB6]  }
0x2d: {  	s3 =	simm.s32 $0x108;
	s8 =	sld [smem:$0x3FB7]  }
0x2e: {  	s3 =	simm.s32 @!p0 $0x1082;
	s9 =	sld [smem:$0x3FB8]  }
0x2f: {  	lr =	sadd.s32 s0, s3;
	s0 =	sld [smem:$0x3FAF]  }
0x30: {  	s3 =	sld [smem:$0x3FB2]  }
0x31: {  	[smem:$0x3FBB] =	sst s10  }
0x32: {  	s10 =	sld [smem:$0x3FB9];
	_ =	sdelay $0x3  }
0x33: {  	p0 =	seq.s32 s10, $0x1;
	s10 =	sld [smem:$0x3FBB];
	_ =	sdelay $0x3  }
0x34: {  	[smem:$0x3FBB] =	sst s10  }
0x35: {  	s10 =	sld [smem:$0x3FBA];
	_ =	sdelay $0x3  }
0x36: {  	p1 =	seq.s32 s10, $0x1;
	s10 =	sld [smem:$0x3FBB];
	_ =	sdelay $0x3  }
0x37: {  	[smem:$0x3FBB] =	sst s10  }
0x38: {  	s10 =	sld [smem:$0x3FBC]  }
0x39: {  	_ = 	snop;
	(pc) =	sbr.ind lr, $3  }
0x3a: {  	_ = 	snop  }
0x3b: {  	_ = 	snop  }
0x3c: {  	p2 =	seq.s32 s10, $0x1;
	s10 =	sld [smem:$0x3FBB]  }
0x3d: {  	_ =	shalt  }
0x3e: {  	_ =	shalt  }
0x3f: {  	_ =	shalt  }
0x40: {  	_ =	shalt  }
0x41: {  	_ =	shalt  }
0x42: {  	_ =	shalt  }
0x43: {  	_ =	shalt  }
0x44: {  	_ =	shalt  }
0x45: {  	_ =	shalt  }
0x46: {  	_ =	shalt  }
0x47: {  	_ =	shalt  }
0x48: {  	_ =	shalt  }
0x49: {  	_ =	shalt  }
0x4a: {  	_ =	shalt  }
0x4b: {  	_ =	shalt  }
0x4c: {  	_ =	shalt  }
0x4d: {  	_ =	shalt  }
0x4e: {  	_ =	shalt  }
0x4f: {  	_ =	shalt  }
0x50: {  	_ =	shalt  }
0x51: {  	_ =	shalt  }
0x52: {  	_ =	shalt  }
0x53: {  	_ =	shalt  }
0x54: {  	_ =	shalt  }
0x55: {  	_ =	shalt  }
0x56: {  	_ =	shalt  }
0x57: {  	_ =	shalt  }
0x58: {  	_ =	shalt  }
0x59: {  	_ =	shalt  }
0x5a: {  	_ =	shalt  }
0x5b: {  	_ =	shalt  }
0x5c: {  	_ =	shalt  }
0x5d: {  	_ =	shalt  }
0x5e: {  	_ =	shalt  }
0x5f: {  	_ =	shalt  }
0x60: {  	_ =	shalt  }
0x61: {  	_ =	shalt  }
0x62: {  	_ =	shalt  }
0x63: {  	_ =	shalt  }
0x64: {  	_ =	shalt  }
0x65: {  	_ =	shalt  }
0x66: {  	_ =	shalt  }
0x67: {  	_ =	shalt  }
0x68: {  	_ =	shalt  }
0x69: {  	_ =	shalt  }
0x6a: {  	_ =	shalt  }
0x6b: {  	_ =	shalt  }
0x6c: {  	_ =	shalt  }
0x6d: {  	_ =	shalt  }
0x6e: {  	_ =	shalt  }
0x6f: {  	_ =	shalt  }
0x70: {  	_ =	shalt  }
0x71: {  	_ =	shalt  }
0x72: {  	_ =	shalt  }
0x73: {  	_ =	shalt  }
0x74: {  	_ =	shalt  }
0x75: {  	_ =	shalt  }
0x76: {  	_ =	shalt  }
0x77: {  	_ =	shalt  }
0x78: {  	_ =	shalt  }
0x79: {  	_ =	shalt  }
0x7a: {  	_ =	shalt  }
0x7b: {  	_ =	shalt  }
0x7c: {  	_ =	shalt  }
0x7d: {  	_ =	shalt  }
0x7e: {  	_ =	shalt  }
0x7f: {  	_ =	shalt  }
0x80: {  	_ =	shalt  }
0x81: {  	_ =	shalt  }
0x82: {  	_ =	shalt  }
0x83: {  	_ =	shalt  }
0x84: {  	_ =	shalt  }
0x85: {  	_ =	shalt  }
0x86: {  	_ =	shalt  }
0x87: {  	_ =	shalt  }
.Lfunc_end0:
.L_simem_size_0:
called_computation_lowered:
.L_overlay_start_0:
0x88: {  	s2 =	sld [smem:$0x3FD9]  }
0x89: {  	s3 =	sld [smem:$0x3FFE];
	_ =	sdelay $0x1  }
0x8a: {  	s1 =	srdreg.scid  }
0x8b: {  	s0 =	sand.u32 $0x1, s1  }
0x8c: {  	s18 =	sshll.u32 s0, $0xA;
	s2 =	sadd.s32 s3, s2  }
0x8d: {  	s2 =	sadd.s32 s2, s18  }
0x8e: {  	[smem:$0x3FC7] =	sst s2  }
0x8f: {  	_ = 	snop  }
0x90: {  	s2 =	sld [smem:$0x3FC9]  }
0x91: {  	s19 =	sld [smem:$0x3FD0];
	(tm) =	ssettm $0x1  }
0x92: {  	s4 =	sld [smem:$0x3FFB];
	_ =	sdelay $0x3  }
0x93: {  	_ =	strace s4  }
0x94: {  	s4 =	sld [smem:$0x3FFC];
	_ =	sdelay $0x3  }
0x95: {  	_ =	strace s4  }
0x96: {  	s4 =	sld [smem:$0x3FFD];
	_ =	sdelay $0x3  }
0x97: {  	_ =	strace s4  }
0x98: {  	_ =	strace $0x8FFFFFFF  }
0x99: {  	s20 =	sld [smem:$0x3FDB];
	_ =	sdelay $0x1  }
0x9a: {  	s5 =	simm.s32 $_scs_section_size  }
0x9b: {  	s6 =	simm.s32 $_size__tile_overlayer_lowered;
	s7 =	simm.s32 $_tile_overlayer_lowered  }
0x9c: {  	s23 =	simm.s32 $0x1BFF;
	s22 =	sshll.u32 s7, $0x1;
	s4 =	sadd.s32 s5, s20  }
0x9d: {  	s8 =	simm.s32 $0x0;
	s21 =	sshll.u32 s6, $0x1;
	s6 =	sadd.s32 s22, s4  }
0x9e: {  	[timem:s8], [sflag:s23] =	dma.local [hbm:s6], s21  }
0x9f: {  	_ =	swait.ge [sflag:s23], s21  }
0xa0: {  	s5 =	ssub.s32 $0x0, s21;
	[sflag:s23] =	ssyncset.done $0x0  }
0xa1: {  	[sflag:s23] =	ssyncadd.s32 s5;
	_ =	sdelay $0x1  }
0xa2: {  	s24 =	simm.s32 $0x1B8B  }
0xa3: {  	_ =	swait.ge [sflag:s24], $0x1  }
0xa4: {  	[sflag:s24] =	ssyncset.done $0x0  }
0xa5: {  	s25 =	simm.s32 $0x1B8E;
	[sflag:s24] =	ssyncadd.s32 $0xFFFFFFFF  }
0xa6: {  	s26 =	simm.s32 $execute0_lowered;
	[smem:$0x3FD2] =	sst s25  }
0xa7: {  	s5 =	sshll.u32 s26, $0x1;
	_ =	strace $0x80000046;
	[dreg:$0x1] =	wrdreg $0xFFFFFFFF  }
0xa8: {  	s28 =	simm.s32 $_size_execute0_lowered;
	s4 =	sadd.s32 s4, s5;
	[dreg:$0x0] =	wrdreg $0x0  }
0xa9: {  	s5 =	sshll.u32 s28, $0x1;
	[dreg:$0x2] =	wrdreg s4  }
0xaa: {  	[dreg:$0x3] =	wrdreg s5  }
0xab: {  	[dreg:$0x4] =	wrdreg $0xC0  }
0xac: {  	_ =	task [dreg:s8], $0x5FFFF  }
0xad: {  	[dreg:$0x1] =	wrdreg $0xFFFFFFFF  }
0xae: {  	[dreg:$0x0] =	wrdreg $0x60  }
0xaf: {  	[dreg:$0x2] =	wrdreg s2  }
0xb0: {  	[dreg:$0x3] =	wrdreg s19  }
0xb1: {  	[dreg:$0x4] =	wrdreg $0x9  }
0xb2: {  	_ =	task.clear_ibuf [dreg:s8], $0x5FFFF;
	_ =	strace $0x90000046  }
0xb3: {  	s29 =	simm.s32 $0x9;
	_ =	strace $0x80000048  }
0xb4: {  	_ =	swait.ge [sflag:s29], $0x1  }
0xb5: {  	[sflag:s29] =	ssyncadd.s32 $0xFFFFFFFF  }
0xb6: {  	_ =	strace $0x90000048  }
0xb7: {  	_ =	sfence  }
0xb8: {  	s30 =	sld [smem:$0x0];
	_ =	sdelay $0x2  }
0xb9: {  	s31 =	sshll.u32 s1, $0xD;
	s1 =	sshrl.u32 s1, $0x2  }
0xba: {  	s3 =	sand.u32 $0x4000, s31;
	s1 =	sadd.s32 s1, s30  }
0xbb: {  	s0 =	sor.u32 s3, s0;
	s1 =	sshll.u32 s1, $0x11  }
0xbc: {  	s0 =	sor.u32 s1, s0  }
0xbd: {  	s0 =	sadd.s32 $0x8F2B, s0  }
0xbe: {  	[sflag:s0] =	ssyncadd.remote.s32 $0x1  }
0xbf: {  	_ =	sfence.sel $0xFFFF  }
0xc0: {  	[dreg:$0x0] =	wrdreg $0xFFFFFFFF;
	(pc) =	sbr.abs _section_cstart, $3  }
0xc1: {  	[dreg:$0x1] =	wrdreg $0xFFFFFFFF  }
0xc2: {  	_ =	task.clear_ibuf [dreg:s8], $0x2FFFF;
	_ =	strace $0x9FFFFFFF  }
0xc3: {  	(tm) =	ssettm $0x7FFFFFFF  }
tec
execute0_lowered:
.L_overlay_start_1:
0x0: {  	(tag) =	ssettag $0x1  }
0x1: {  	v0 =	vimm.s32 $0x2E2A2622  }
0x2: {  	v1 =	vimm.s32 $0x3F3B3733;
	vm0 =	vcmask $0x1F10;
	v2 =	vimm.s32 $0x1D191511  }
0x3: {  	v3 =	vimm.s32 $0x2F2B2723;
	v4 =	vimm.s32 $0x3C383430;
	v5 =	vimm.s32 $0xD090501  }
0x4: {  	v6 =	vimm.s32 $0x1E1A1612;
	v7 =	vimm.s32 $0xF0B0703;
	v8 =	vimm.s32 $0x1C181410  }
0x5: {  	v9 =	vimm.s32 $0x6E6A6662;
	v10 =	vimm.s32 $0x7F7B7773;
	v57 =	vimm.s32 $0x4D494541  }
0x6: {  	v58 =	vimm.s32 $0x5E5A5652;
	v60 =	vimm.s32 $0x7D797571;
	v62 =	vimm.s32 $0x4E4A4642  }
0x7: {  	v11 =	vimm.s32 $0x5F5B5753;
	v0 =	vunpack.c.0.s8.s32 v0;
	v1 =	vunpack.c.0.s8.s32 v1  }
0x8: {  	v12 =	vimm.s32 $0x6D696561;
	v13 =	vimm.s32 $0x7E7A7672;
	v14 =	vimm.s32 $0x4F4B4743  }
0x9: {  	v15 =	vimm.s32 $0x5C585450;
	v0 =	vsel vm0, v1, v0;
	v1 =	vimm.s32 $0xC080400  }
0xa: {  	v2 =	vunpack.c.0.s8.s32 v2;
	v3 =	vunpack.c.0.s8.s32 v3;
	v1 =	vunpack.c.0.s8.s32 v1  }
0xb: {  	v4 =	vunpack.c.0.s8.s32 v4;
	v7 =	vunpack.c.0.s8.s32 v7;
	v8 =	vunpack.c.0.s8.s32 v8  }
0xc: {  	v1 =	vsel vm0, v2, v1;
	v2 =	vunpack.c.0.s8.s32 v5;
	v5 =	vunpack.c.0.s8.s32 v6  }
0xd: {  	v3 =	vsel vm0, v4, v3;
	v4 =	vimm.s32 $0x2C282420;
	v6 =	vimm.s32 $0x3D393531  }
0xe: {  	v4 =	vunpack.c.0.s8.s32 v4;
	v2 =	vsel vm0, v5, v2;
	v5 =	vunpack.c.0.s8.s32 v6  }
0xf: {  	v56 =	vunpack.c.0.s8.s32 v10;
	v0 =	vcombine.low v1, v0;
	v1 =	vcombine.low v2, v3  }
0x10: {  	v3 =	vimm.s32 $0xE0A0602;
	v2 =	vsel vm0, v5, v4;
	v4 =	vimm.s32 $0x1F1B1713  }
0x11: {  	v59 =	vunpack.c.0.s8.s32 v58;
	v3 =	vunpack.c.0.s8.s32 v3;
	v4 =	vunpack.c.0.s8.s32 v4  }
0x12: {  	s0 =	srdreg.scid;
	s1 =	rddreg [dreg:$0x0];
	v61 =	vunpack.c.0.s8.s32 v60;
	v6 =	vimm.s32 $0x3E3A3632;
	v5 =	vimm.s32 $0x2D292521  }
0x13: {  	s5 =	stileid.u32;
	s3 =	rddreg [dreg:$0x1];
	v6 =	vunpack.c.0.s8.s32 v6;
	v5 =	vunpack.c.0.s8.s32 v5;
	v3 =	vsel vm0, v4, v3  }
0x14: {  	s11 =	simm.s32 $0x80;
	s12 =	simm.s32 $0x8000;
	s0 =	sand.u32 $0x1, s0;
	v10 =	vunpack.c.0.s8.s32 v62;
	v11 =	vunpack.c.0.s8.s32 v11;
	v2 =	vcombine.low v3, v2  }
0x15: {  	s13 =	simm.s32 $0x10000;
	s2 =	sshll.u32 s5, $0x4;
	s4 =	sshll.u32 s0, $0x3;
	v3 =	vsel vm0, v6, v5;
	v5 =	vsel vm0, v8, v7;
	v6 =	vimm.s32 $0x5D595551  }
0x16: {  	s14 =	simm.s32 $0x1;
	s30 =	sshrl.u32 s5, $0x2;
	s4 =	sor.u32 s4, s2;
	v7 =	vimm.s32 $0x6F6B6763;
	v8 =	vimm.s32 $0x7C787470;
	v3 =	vcombine.low v5, v3  }
0x17: {  	s16 =	simm.s32 $0x2;
	s7 =	smul.u32 $0xC00000, s30;
	s6 =	sshrl.u32 s4, $0x3;
	v5 =	vimm.s32 $0x4C484440;
	v7 =	vunpack.c.0.s8.s32 v7;
	v8 =	vunpack.c.0.s8.s32 v8  }
0x18: {  	v12 =	vunpack.c.0.s8.s32 v12;
	s0 =	ssub.s32 $0x2, s0;
	s2 =	smul.u32 $0x300000, s30;
	s6 =	sand.u32 $0x7, s6;
	v6 =	vunpack.c.0.s8.s32 v6;
	v5 =	vunpack.c.0.s8.s32 v5  }
0x19: {  	s5 =	simm.s32 $0x0;
	v13 =	vunpack.c.0.s8.s32 v13;
	s31 =	sshrl.u32 s0, $0x1;
	s8 =	smul.u32 $0x180000, s6;
	v4 =	vunpack.c.0.s8.s32 v9;
	v7 =	vsel vm0, v8, v7  }
0x1a: {  	[smem:$0x7FF] =	sst s5;
	s0 =	ssub.s32 s0, s31;
	s6 =	smul.u32 $0x60000, s6;
	v8 =	vimm.s32 $0x6C686460;
	v5 =	vsel vm0, v6, v5;
	v6 =	vunpack.c.0.s8.s32 v57  }
0x1b: {  	v14 =	vunpack.c.0.s8.s32 v14;
	_ =	strace $0x80000047;
	s0 =	smax.u32 s0, $0x1;
	s7 =	sadd.s32 s7, s8;
	v4 =	vsel vm0, v56, v4;
	v8 =	vunpack.c.0.s8.s32 v8  }
0x1c: {  	v15 =	vunpack.c.0.s8.s32 v15;
	[dreg:$0x6] =	wrdreg s0;
	s2 =	sadd.s32 s2, s6;
	s7 =	sshrl.u32 s7, $0x3;
	v4 =	vcombine.low v5, v4;
	v6 =	vsel vm0, v59, v6  }
0x1d: {  	s18 =	simm.s32 $0x3;
	[dreg:$0x5] =	wrdreg s2;
	s7 =	sadd.s32 s1, s7;
	v5 =	vcombine.low v6, v7;
	v6 =	vsel vm0, v61, v8;
	v7 =	vsel vm0, v11, v10  }
0x1e: {  	s19 =	simm.s32 $0x6;
	v63 =	vsel vm0, v15, v14;
	[dreg:$0x3] =	wrdreg s7;
	s7 =	sadd.s32 $0x8000, s7;
	v8 =	vsel vm0, v13, v12;
	v6 =	vcombine.low v7, v6  }
0x1f: {  	s8 =	simm.s32 $0x400;
	s2 =	simm.s32 $0x0;
	[dreg:$0x4] =	wrdreg s7;
	v7 =	vcombine.low v63, v8  }
.LBB2_1:
0x20: {  	[dreg:$0x7] =	wrdreg s2  }
0x21: {  	s0 =	rddreg [dreg:$0x3]  }
0x22: {  	[tilespmem:s5], [sflag:$0x1] =	stream.strided.gather [hbm4b:s0+s11], $0x8000, s8, s11, $0x38;
	[tilespmem:$0x1E180] =	vst v63  }
0x23: {  	s31 =	rddreg [dreg:$0x4];
	s24 =	simm.s32 $0x0  }
0x24: {  	[tilespmem:s12], [sflag:$0x2] =	stream.strided.gather [hbm4b:s31+s11], $0x8000, s8, s11, $0x38;
	[tilespmem:$0x1E180] =	vst v63  }
.LBB2_2:
0x25: {  	s30 =	smul.u32 $0x3, s24;
	_ =	sdelay $0x1  }
0x26: {  	s0 =	sadd.s32 $0x2, s30  }
0x27: {  	s2 =	sand.u32 $0xFF, s0  }
0x28: {  	s2 =	smul.u32 $0xAB, s2;
	_ =	sdelay $0x1  }
0x29: {  	s2 =	sshrl.u32 s2, $0xA  }
0x2a: {  	s6 =	smul.u32 $0x6, s2  }
0x2b: {  	s2 =	sadd.s32 s2, s4  }
0x2c: {  	s26 =	sshrl.u32 s2, $0x6;
	s0 =	ssub.s32 s0, s6  }
0x2d: {  	s7 =	sshrl.u32 s2, $0x3;
	s25 =	smul.u32 $0xC00000, s26;
	s29 =	sand.u32 $0xFF, s0  }
0x2e: {  	s2 =	sshll.u32 s2, $0x7;
	s28 =	sand.u32 $0x7, s7;
	s0 =	sshll.u32 s29, $0x12  }
0x2f: {  	s7 =	smul.u32 $0x180000, s28;
	s0 =	sor.u32 s0, s25;
	s25 =	sand.u32 $0x380, s2  }
0x30: {  	s0 =	sor.u32 s25, s0  }
0x31: {  	s0 =	sadd.s32 s7, s0  }
0x32: {  	s0 =	sshrl.u32 s0, $0x3  }
0x33: {  	s0 =	sadd.s32 s1, s0  }
0x34: {  	[tilespmem:s13], [sflag:$0x3] =	stream.strided.gather [hbm4b:s0+s11], $0x8000, s8, s11, $0x38;
	[tilespmem:$0x1E180] =	vst v63  }
0x35: {  	s6 =	simm.s32 $0x1C0;
	_ =	swait.ge [sflag:s14], $0x8000  }
0x36: {  	p0 =	seq.s32 s24, $0x0;
	v8 =	vor.u32 s6, v4;
	s7 =	simm.s32 $0x180;
	[sflag:s14] =	ssyncset.done $0x0  }
0x37: {  	s2 =	simm.s32 @!p0 $0x4;
	v9 =	vor.u32 s7, v0;
	[sflag:s14] =	ssyncadd.s32 $0xFFFF8000  }
0x38: {  	v10 =	vor.u32 s7, v1;
	_ =	swait.ge @!p0 [sflag:s2], $0x2000  }
0x39: {  	v11 =	vor.u32 s7, v2;
	[sflag:s2] =	ssyncset.done @!p0 $0x0  }
0x3a: {  	s9 =	simm.s32 $0x0;
	v12 =	vor.u32 s7, v3;
	[sflag:s2] =	ssyncadd.s32 @!p0 $0xFFFFE000  }
0x3b: {  	v13 =	vor.u32 s9, v0;
	v8 =	vld.idx.msk [tilespmem:v8+s5+$0x0], $0xffff  }
0x3c: {  	v14 =	vor.u32 s9, v1;
	v9 =	vld.idx.msk [tilespmem:v9+s5+$0x0], $0xffff  }
0x3d: {  	v15 =	vor.u32 s9, v2;
	v10 =	vld.idx.msk [tilespmem:v10+s5+$0x0], $0xffff  }
0x3e: {  	v16 =	vor.u32 s9, v3;
	v11 =	vld.idx.msk [tilespmem:v11+s5+$0x0], $0xffff  }
0x3f: {  	v17 =	vor.u32 s9, v4;
	v12 =	vld.idx.msk [tilespmem:v12+s5+$0x0], $0xffff  }
0x40: {  	v18 =	vor.u32 s9, v5;
	v13 =	vld.idx.msk [tilespmem:v13+s5+$0x0], $0xffff  }
0x41: {  	v19 =	vor.u32 s9, v6;
	v14 =	vld.idx.msk [tilespmem:v14+s5+$0x0], $0xffff  }
0x42: {  	s10 =	simm.s32 $0x80;
	v20 =	vor.u32 s9, v7;
	v15 =	vld.idx.msk [tilespmem:v15+s5+$0x0], $0xffff  }
0x43: {  	v21 =	vor.u32 s10, v0;
	v16 =	vld.idx.msk [tilespmem:v16+s5+$0x0], $0xffff  }
0x44: {  	v22 =	vor.u32 s10, v1;
	v17 =	vld.idx.msk [tilespmem:v17+s5+$0x0], $0xffff  }
0x45: {  	v23 =	vor.u32 s10, v2;
	v18 =	vld.idx.msk [tilespmem:v18+s5+$0x0], $0xffff  }
0x46: {  	s15 =	simm.s32 $0xC0;
	v24 =	vor.u32 s10, v3;
	v19 =	vld.idx.msk [tilespmem:v19+s5+$0x0], $0xffff  }
0x47: {  	v25 =	vor.u32 s15, v4;
	v20 =	vld.idx.msk [tilespmem:v20+s5+$0x0], $0xffff  }
0x48: {  	v26 =	vor.u32 s15, v5;
	v21 =	vld.idx.msk [tilespmem:v21+s5+$0x0], $0xffff  }
0x49: {  	v27 =	vor.u32 s15, v6;
	v22 =	vld.idx.msk [tilespmem:v22+s5+$0x0], $0xffff  }
0x4a: {  	s17 =	simm.s32 $0x100;
	v28 =	vor.u32 s15, v7;
	v23 =	vld.idx.msk [tilespmem:v23+s5+$0x0], $0xffff  }
0x4b: {  	v29 =	vor.u32 s17, v0;
	v24 =	vld.idx.msk [tilespmem:v24+s5+$0x0], $0xffff  }
0x4c: {  	v31 =	vor.u32 s17, v2;
	v25 =	vld.idx.msk [tilespmem:v25+s5+$0x0], $0xffff  }
0x4d: {  	s21 =	simm.s32 $0x140;
	v30 =	vor.u32 s17, v1;
	v26 =	vld.idx.msk [tilespmem:v26+s5+$0x0], $0xffff  }
0x4e: {  	v32 =	vor.u32 s17, v3;
	v34 =	vor.u32 s21, v5;
	s20 =	sand.u32 $0xFF, s30;
	v27 =	vld.idx.msk [tilespmem:v27+s5+$0x0], $0xffff;
	v9 =	vmax.f32 v9, v10  }
0x4f: {  	s2 =	smul.u32 $0xAB, s20;
	v28 =	vld.idx.msk [tilespmem:v28+s5+$0x0], $0xffff;
	v10 =	vmax.f32 v11, v12;
	v11 =	vmax.f32 v13, v14;
	v13 =	vmax.f32 v15, v16  }
0x50: {  	s31 =	simm.s32 $0x70;
	v33 =	vor.u32 s21, v4;
	v12 =	vld.idx.msk [tilespmem:v29+s5+$0x0], $0xffff;
	v11 =	vmax.f32 v11, v13  }
0x51: {  	s22 =	sshrl.u32 s2, $0xA;
	v14 =	vmax.f32 v19, v20;
	v15 =	vld.idx.msk [tilespmem:v31+s5+$0x0], $0xffff;
	v16 =	vor.u32 s21, v6;
	[tilespmem:s31+$0x17F90] =	vst v11;
	v11 =	vmax.f32 v17, v18  }
0x52: {  	s0 =	smul.u32 $0x6, s22;
	v10 =	vmax.f32 v9, v10;
	v13 =	vld.idx.msk [tilespmem:v30+s5+$0x0], $0xffff;
	v11 =	vmax.f32 v11, v14;
	v14 =	vor.u32 s21, v7  }
0x53: {  	v19 =	vmax.f32 v23, v24;
	v9 =	vor.u32 s6, v5;
	[tilespmem:s31+$0x17FF0] =	vst v10;
	v18 =	vmax.f32 v21, v22;
	v17 =	vld.idx.msk [tilespmem:v32+s5+$0x0], $0xffff  }
0x54: {  	s23 =	sshll.u32 s24, $0x6;
	s7 =	simm.s32 $0x0;
	s0 =	ssub.s32 s30, s0;
	v10 =	vor.u32 s6, v6;
	v21 =	vld.idx.msk [tilespmem:v34+s5+$0x0], $0xffff;
	v18 =	vmax.f32 v18, v19;
	[tilespmem:s31+$0x17FA0] =	vst v11  }
0x55: {  	s2 =	sand.u32 $0xFF, s0;
	s0 =	sand.u32 $0x380, s23;
	v20 =	vmax.f32 v27, v28;
	v19 =	vld.idx.msk [tilespmem:v33+s5+$0x0], $0xffff;
	v11 =	vor.u32 s6, v7;
	[tilespmem:s31+$0x17FB0] =	vst v18;
	v18 =	vmax.f32 v25, v26;
	s6 =	simm.s32 $0x3C0  }
.LBB2_3:
0x56: {  	s10 =	sadd.s32 $0xFFFFFEC0, s6;
	s21 =	sadd.s32 $0xFFFFFF00, s6;
	s22 =	sadd.s32 $0xFFFFFFC0, s6;
	v22 =	vor.u32 s6, v4;
	v23 =	vor.u32 s6, v5;
	v24 =	vor.u32 s6, v6;
	v25 =	vld.idx.msk [tilespmem:v16+s5+$0x0], $0xffff  }
0x57: {  	s23 =	sadd.s32 $0xFFFFFE40, s6;
	s15 =	sadd.s32 $0xFFFFFF40, s6;
	s17 =	sadd.s32 $0xFFFFFF80, s6;
	v26 =	vor.u32 s10, v0;
	v27 =	vor.u32 s10, v1;
	v16 =	vor.u32 s22, v0;
	v28 =	vld.idx.msk [tilespmem:v14+s5+$0x0], $0xffff  }
0x58: {  	v14 =	vor.u32 s23, v0;
	v29 =	vor.u32 s23, v1;
	v30 =	vor.u32 s22, v1;
	v31 =	vld.idx.msk [tilespmem:v9+s5+$0x0], $0xffff;
	v9 =	vmovc v23  }
0x59: {  	s7 =	sadd.s32 $0x8, s7;
	v32 =	vor.u32 s23, v3;
	v33 =	vor.u32 s22, v2;
	v23 =	vor.u32 s23, v2;
	v34 =	vld.idx.msk [tilespmem:v10+s5+$0x0], $0xffff;
	v10 =	vmovc v24  }
0x5a: {  	v35 =	vor.u32 s23, v5;
	v36 =	vor.u32 s22, v3;
	p1 =	slt.u32 s7, $0x1F8;
	v24 =	vor.u32 s23, v4;
	v37 =	vld.idx.msk [tilespmem:v11+s5+$0x0], $0xffff  }
0x5b: {  	v38 =	vor.u32 s23, v6;
	v39 =	vor.u32 s23, v7;
	v40 =	vor.u32 s10, v2;
	v22 =	vld.idx.msk [tilespmem:v22+s5+$0x0], $0xffff  }
0x5c: {  	v41 =	vor.u32 s10, v3;
	v42 =	vor.u32 s21, v4;
	v43 =	vor.u32 s21, v5;
	v44 =	vld.idx.msk [tilespmem:v16+s5+$0x0], $0xffff  }
0x5d: {  	v45 =	vor.u32 s21, v6;
	v46 =	vor.u32 s21, v7;
	v47 =	vor.u32 s15, v0;
	v30 =	vld.idx.msk [tilespmem:v30+s5+$0x0], $0xffff  }
0x5e: {  	v48 =	vor.u32 s15, v1;
	v49 =	vor.u32 s15, v2;
	v50 =	vor.u32 s15, v3;
	v33 =	vld.idx.msk [tilespmem:v33+s5+$0x0], $0xffff  }
0x5f: {  	v51 =	vor.u32 s17, v4;
	v52 =	vor.u32 s17, v5;
	v16 =	vor.u32 s17, v6;
	v36 =	vld.idx.msk [tilespmem:v36+s5+$0x0], $0xffff  }
0x60: {  	v12 =	vmax.f32 v12, v13;
	v11 =	vor.u32 s6, v7;
	v53 =	vld.idx.msk [tilespmem:v14+s5+$0x0], $0xffff;
	v14 =	vor.u32 s17, v7  }
0x61: {  	v15 =	vmax.f32 v15, v17;
	v17 =	vmax.f32 v19, v21;
	v19 =	vmax.f32 v25, v28;
	v13 =	vld.idx.msk [tilespmem:v29+s5+$0x0], $0xffff  }
0x62: {  	v18 =	vmax.f32 v18, v20;
	v25 =	vmax.f32 v8, v31;
	v20 =	vmax.f32 v34, v37;
	v21 =	vld.idx.msk [tilespmem:v23+s5+$0x0], $0xffff  }
0x63: {  	v12 =	vmax.f32 v12, v15;
	v15 =	vmax.f32 v17, v19;
	v17 =	vmax.f32 v25, v20;
	v23 =	vld.idx.msk [tilespmem:v32+s5+$0x0], $0xffff  }
0x64: {  	v8 =	vmov v22;
	v19 =	vld.idx.msk [tilespmem:v24+s5+$0x0], $0xffff;
	[tilespmem:s31+$0x17FC0] =	vst v18  }
0x65: {  	v20 =	vmax.f32 v44, v30;
	v22 =	vmax.f32 v33, v36;
	v18 =	vld.idx.msk [tilespmem:v35+s5+$0x0], $0xffff;
	[tilespmem:s31+$0x17FD0] =	vst v12  }
0x66: {  	s10 =	sshra.s32 s6, $0x2;
	v20 =	vmax.f32 v20, v22;
	v12 =	vld.idx.msk [tilespmem:v38+s5+$0x0], $0xffff;
	[tilespmem:s31+$0x17FE0] =	vst v15  }
0x67: {  	v13 =	vmax.f32 v53, v13;
	v15 =	vld.idx.msk [tilespmem:v39+s5+$0x0], $0xffff;
	[tilespmem:s10+$0x17FF0] =	vst v20  }
0x68: {  	v20 =	vld.idx.msk [tilespmem:v26+s5+$0x0], $0xffff;
	[tilespmem:s31+$0x18000] =	vst v17;
	s31 =	smov.u32 s10  }
0x69: {  	v17 =	vmax.f32 v21, v23;
	v21 =	vld.idx.msk [tilespmem:v27+s5+$0x0], $0xffff  }
0x6a: {  	v13 =	vmax.f32 v13, v17;
	v17 =	vld.idx.msk [tilespmem:v40+s5+$0x0], $0xffff  }
0x6b: {  	[tilespmem:s31+$0x17F90] =	vst v13;
	v13 =	vmax.f32 v19, v18;
	v18 =	vld.idx.msk [tilespmem:v41+s5+$0x0], $0xffff  }
0x6c: {  	v19 =	vld.idx.msk [tilespmem:v42+s5+$0x0], $0xffff  }
0x6d: {  	v12 =	vmax.f32 v12, v15;
	v22 =	vld.idx.msk [tilespmem:v43+s5+$0x0], $0xffff  }
0x6e: {  	v12 =	vmax.f32 v13, v12;
	v23 =	vld.idx.msk [tilespmem:v45+s5+$0x0], $0xffff  }
0x6f: {  	v15 =	vmax.f32 v20, v21;
	[tilespmem:s31+$0x17FA0] =	vst v12;
	v20 =	vld.idx.msk [tilespmem:v46+s5+$0x0], $0xffff  }
0x70: {  	v12 =	vld.idx.msk [tilespmem:v47+s5+$0x0], $0xffff  }
.Ltmp0:
0x71: {  	v17 =	vmax.f32 v17, v18;
	v13 =	vld.idx.msk [tilespmem:v48+s5+$0x0], $0xffff;
	(pc) =	sbr.rel @p1 .LBB2_3-.Ltmp0, $4  }
0x72: {  	v17 =	vmax.f32 v15, v17;
	v15 =	vld.idx.msk [tilespmem:v49+s5+$0x0], $0xffff  }
0x73: {  	v18 =	vmax.f32 v19, v22;
	[tilespmem:s31+$0x17FB0] =	vst v17;
	v17 =	vld.idx.msk [tilespmem:v50+s5+$0x0], $0xffff  }
0x74: {  	v19 =	vld.idx.msk [tilespmem:v51+s5+$0x0], $0xffff  }
0x75: {  	s6 =	sadd.s32 $0x200, s6;
	v20 =	vmax.f32 v23, v20;
	v21 =	vld.idx.msk [tilespmem:v52+s5+$0x0], $0xffff  }
0x76: {  	_ =	sdelay $0x3  }
0x77: {  	v16 =	vld.idx.msk [tilespmem:v16+s5+$0x0], $0xffff  }
0x78: {  	v14 =	vld.idx.msk [tilespmem:v14+s5+$0x0], $0xffff  }
0x79: {  	v9 =	vld.idx.msk [tilespmem:v9+s5+$0x0], $0xffff  }
0x7a: {  	v10 =	vld.idx.msk [tilespmem:v10+s5+$0x0], $0xffff  }
0x7b: {  	v11 =	vld.idx.msk [tilespmem:v11+s5+$0x0], $0xffff  }
0x7c: {  	v12 =	vmax.f32 v12, v13;
	v13 =	vmax.f32 v15, v17;
	v15 =	vmax.f32 v18, v20  }
0x7d: {  	[tilespmem:s31+$0x17FC0] =	vst v15  }
0x7e: {  	s6 =	rddreg [dreg:$0x5]  }
0x7f: {  	s2 =	sshll.u32 s2, $0x10;
	v12 =	vmax.f32 v12, v13;
	v17 =	vmax.f32 v19, v21;
	v14 =	vmax.f32 v16, v14;
	s0 =	sor.u32 s0, s6  }
0x80: {  	p1 =	seq.s32 s24, $0xF;
	[tilespmem:s31+$0x17FD0] =	vst v12;
	v8 =	vmax.f32 v8, v9;
	v9 =	vmax.f32 v10, v11;
	v10 =	vmax.f32 v17, v14;
	s0 =	sadd.s32 s2, s0  }
0x81: {  	v8 =	vmax.f32 v8, v9;
	s2 =	sadd.s32 @!p1 $0x3, s30;
	[tilespmem:s31+$0x17FE0] =	vst v10;
	s0 =	sshrl.u32 s0, $0x3  }
0x82: {  	s7 =	simm.s32 $0x18000;
	[tilespmem:s31+$0x18000] =	vst v8;
	s6 =	smulhi.u32 @!p1 $0xAAAAAAAB, s2;
	s0 =	sadd.s32 s3, s0  }
0x83: {  	[hbm4b:s0+s11] =	stream.strided.scatter [tilespmem:s7], [sflag:$0x4], $0x2000, s8, s11, $0x38;
	[tilespmem:$0x1E180] =	vst v63  }
0x84: {  	s0 =	sshrl.u32 @!p1 s6, $0x2  }
0x85: {  	s6 =	sadd.s32 @!p1 s4, s0;
	s0 =	smul.u32 @!p1 $0x6, s0  }
0x86: {  	s7 =	sshrl.u32 @!p1 s6, $0x6  }
0x87: {  	s10 =	sshrl.u32 @!p1 s6, $0x3;
	s7 =	smul.u32 @!p1 $0xC00000, s7;
	s0 =	ssub.s32 @!p1 s2, s0  }
0x88: {  	s6 =	sshll.u32 @!p1 s6, $0x7;
	s2 =	sand.u32 @!p1 $0x7, s10;
	s0 =	sshll.u32 @!p1 s0, $0x12  }
0x89: {  	s6 =	sand.u32 @!p1 $0x380, s6;
	s2 =	smul.u32 @!p1 $0x180000, s2;
	s0 =	sor.u32 @!p1 s0, s7  }
0x8a: {  	s0 =	sor.u32 @!p1 s6, s0  }
0x8b: {  	s0 =	sadd.s32 @!p1 s2, s0  }
0x8c: {  	s7 =	simm.s32 @!p1 $0x0;
	s0 =	sshrl.u32 @!p1 s0, $0x3  }
0x8d: {  	s6 =	simm.s32 @!p1 $0x400;
	s2 =	simm.s32 @!p1 $0x80;
	s0 =	sadd.s32 @!p1 s1, s0  }
0x8e: {  	[tilespmem:s7], [sflag:$0x1] =	stream.strided.gather @!p1 [hbm4b:s0+s2], $0x8000, s6, s2, $0x38;
	[tilespmem:$0x1E180] =	vst v63  }
0x8f: {  	s21 =	simm.s32 $0x1C0;
	_ =	swait.ge [sflag:s16], $0x8000  }
0x90: {  	s22 =	simm.s32 $0x180;
	v8 =	vor.u32 s21, v4;
	[sflag:s16] =	ssyncset.done $0x0  }
0x91: {  	v9 =	vor.u32 s22, v0;
	s2 =	simm.s32 @!p0 $0x5;
	[sflag:s16] =	ssyncadd.s32 $0xFFFF8000  }
0x92: {  	v10 =	vor.u32 s22, v1;
	_ =	swait.ge @!p0 [sflag:s2], $0x2000  }
0x93: {  	v11 =	vor.u32 s22, v2;
	[sflag:s2] =	ssyncset.done @!p0 $0x0  }
0x94: {  	s23 =	simm.s32 $0x0;
	v12 =	vor.u32 s22, v3;
	[sflag:s2] =	ssyncadd.s32 @!p0 $0xFFFFE000  }
0x95: {  	v13 =	vor.u32 s23, v0;
	v8 =	vld.idx.msk [tilespmem:v8+s12+$0x0], $0xffff  }
0x96: {  	v14 =	vor.u32 s23, v1;
	v9 =	vld.idx.msk [tilespmem:v9+s12+$0x0], $0xffff  }
0x97: {  	v15 =	vor.u32 s23, v2;
	v10 =	vld.idx.msk [tilespmem:v10+s12+$0x0], $0xffff  }
0x98: {  	v16 =	vor.u32 s23, v3;
	v11 =	vld.idx.msk [tilespmem:v11+s12+$0x0], $0xffff  }
0x99: {  	v17 =	vor.u32 s23, v4;
	v12 =	vld.idx.msk [tilespmem:v12+s12+$0x0], $0xffff  }
0x9a: {  	v18 =	vor.u32 s23, v5;
	v13 =	vld.idx.msk [tilespmem:v13+s12+$0x0], $0xffff  }
0x9b: {  	v19 =	vor.u32 s23, v6;
	v14 =	vld.idx.msk [tilespmem:v14+s12+$0x0], $0xffff  }
0x9c: {  	v20 =	vor.u32 s23, v7;
	s6 =	simm.s32 $0x80;
	v15 =	vld.idx.msk [tilespmem:v15+s12+$0x0], $0xffff  }
0x9d: {  	v21 =	vor.u32 s6, v0;
	v16 =	vld.idx.msk [tilespmem:v16+s12+$0x0], $0xffff  }
0x9e: {  	v22 =	vor.u32 s6, v1;
	v17 =	vld.idx.msk [tilespmem:v17+s12+$0x0], $0xffff  }
0x9f: {  	v23 =	vor.u32 s6, v2;
	v18 =	vld.idx.msk [tilespmem:v18+s12+$0x0], $0xffff  }
0xa0: {  	s7 =	simm.s32 $0xC0;
	v24 =	vor.u32 s6, v3;
	v19 =	vld.idx.msk [tilespmem:v19+s12+$0x0], $0xffff  }
0xa1: {  	v25 =	vor.u32 s7, v4;
	v20 =	vld.idx.msk [tilespmem:v20+s12+$0x0], $0xffff  }
0xa2: {  	v26 =	vor.u32 s7, v5;
	v21 =	vld.idx.msk [tilespmem:v21+s12+$0x0], $0xffff  }
0xa3: {  	v27 =	vor.u32 s7, v6;
	v22 =	vld.idx.msk [tilespmem:v22+s12+$0x0], $0xffff  }
0xa4: {  	s9 =	simm.s32 $0x100;
	v28 =	vor.u32 s7, v7;
	v23 =	vld.idx.msk [tilespmem:v23+s12+$0x0], $0xffff  }
0xa5: {  	v29 =	vor.u32 s9, v0;
	v24 =	vld.idx.msk [tilespmem:v24+s12+$0x0], $0xffff  }
0xa6: {  	v31 =	vor.u32 s9, v2;
	v25 =	vld.idx.msk [tilespmem:v25+s12+$0x0], $0xffff  }
0xa7: {  	s15 =	simm.s32 $0x140;
	v30 =	vor.u32 s9, v1;
	v26 =	vld.idx.msk [tilespmem:v26+s12+$0x0], $0xffff  }
0xa8: {  	v32 =	vor.u32 s9, v3;
	v34 =	vor.u32 s15, v5;
	s10 =	sadd.s32 $0x1, s30;
	v27 =	vld.idx.msk [tilespmem:v27+s12+$0x0], $0xffff;
	v9 =	vmax.f32 v9, v10  }
0xa9: {  	s17 =	smulhi.u32 $0xAAAAAAAB, s10;
	v28 =	vld.idx.msk [tilespmem:v28+s12+$0x0], $0xffff;
	v10 =	vmax.f32 v11, v12;
	v11 =	vmax.f32 v13, v14;
	v13 =	vmax.f32 v15, v16  }
0xaa: {  	v33 =	vor.u32 s15, v4;
	s31 =	simm.s32 $0x70;
	v12 =	vld.idx.msk [tilespmem:v29+s12+$0x0], $0xffff;
	v11 =	vmax.f32 v11, v13  }
0xab: {  	s22 =	sshrl.u32 s24, $0x1;
	s20 =	sshrl.u32 s17, $0x2;
	v15 =	vmax.f32 v19, v20;
	v14 =	vld.idx.msk [tilespmem:v31+s12+$0x0], $0xffff;
	v16 =	vor.u32 s15, v6;
	[tilespmem:s31+$0x1A010] =	vst v11;
	v11 =	vmax.f32 v17, v18  }
0xac: {  	s0 =	smul.u32 $0x6, s20;
	s7 =	sadd.s32 s4, s22;
	v10 =	vmax.f32 v9, v10;
	v13 =	vld.idx.msk [tilespmem:v30+s12+$0x0], $0xffff;
	v11 =	vmax.f32 v11, v15;
	v15 =	vor.u32 s15, v7  }
0xad: {  	s6 =	simm.s32 $0x0;
	s23 =	sshrl.u32 s7, $0x3;
	v19 =	vmax.f32 v23, v24;
	v9 =	vor.u32 s21, v5;
	[tilespmem:s31+$0x1A070] =	vst v10;
	v18 =	vmax.f32 v21, v22;
	v17 =	vld.idx.msk [tilespmem:v32+s12+$0x0], $0xffff  }
0xae: {  	s2 =	ssub.s32 s10, s0;
	s10 =	sshrl.u32 s7, $0x6;
	s7 =	sshll.u32 s7, $0x7;
	v10 =	vor.u32 s21, v6;
	v21 =	vld.idx.msk [tilespmem:v34+s12+$0x0], $0xffff;
	v19 =	vmax.f32 v18, v19;
	[tilespmem:s31+$0x1A020] =	vst v11  }
0xaf: {  	s0 =	sand.u32 $0x7, s23;
	s7 =	sand.u32 $0x380, s7;
	v20 =	vmax.f32 v27, v28;
	v18 =	vld.idx.msk [tilespmem:v33+s12+$0x0], $0xffff;
	v11 =	vor.u32 s21, v7;
	[tilespmem:s31+$0x1A030] =	vst v19;
	v19 =	vmax.f32 v25, v26;
	s21 =	simm.s32 $0x3C0  }
.LBB2_5:
0xb0: {  	s15 =	sadd.s32 $0xFFFFFEC0, s21;
	s17 =	sadd.s32 $0xFFFFFF00, s21;
	s22 =	sadd.s32 $0xFFFFFFC0, s21;
	v22 =	vor.u32 s21, v4;
	v23 =	vor.u32 s21, v5;
	v24 =	vor.u32 s21, v6;
	v25 =	vld.idx.msk [tilespmem:v16+s12+$0x0], $0xffff  }
0xb1: {  	s23 =	sadd.s32 $0xFFFFFE40, s21;
	s20 =	sadd.s32 $0xFFFFFF40, s21;
	s9 =	sadd.s32 $0xFFFFFF80, s21;
	v26 =	vor.u32 s15, v0;
	v27 =	vor.u32 s15, v1;
	v16 =	vor.u32 s22, v0;
	v28 =	vld.idx.msk [tilespmem:v15+s12+$0x0], $0xffff  }
0xb2: {  	v15 =	vor.u32 s23, v0;
	v29 =	vor.u32 s23, v1;
	v30 =	vor.u32 s22, v1;
	v31 =	vld.idx.msk [tilespmem:v9+s12+$0x0], $0xffff;
	v9 =	vmovc v23  }
0xb3: {  	s6 =	sadd.s32 $0x8, s6;
	v32 =	vor.u32 s23, v3;
	v33 =	vor.u32 s22, v2;
	v23 =	vor.u32 s23, v2;
	v34 =	vld.idx.msk [tilespmem:v10+s12+$0x0], $0xffff;
	v10 =	vmovc v24  }
0xb4: {  	v35 =	vor.u32 s23, v5;
	v36 =	vor.u32 s22, v3;
	p1 =	slt.u32 s6, $0x1F8;
	v24 =	vor.u32 s23, v4;
	v37 =	vld.idx.msk [tilespmem:v11+s12+$0x0], $0xffff  }
0xb5: {  	v38 =	vor.u32 s23, v6;
	v39 =	vor.u32 s23, v7;
	v40 =	vor.u32 s15, v2;
	v22 =	vld.idx.msk [tilespmem:v22+s12+$0x0], $0xffff  }
0xb6: {  	v41 =	vor.u32 s15, v3;
	v42 =	vor.u32 s17, v4;
	v43 =	vor.u32 s17, v5;
	v44 =	vld.idx.msk [tilespmem:v16+s12+$0x0], $0xffff  }
0xb7: {  	v45 =	vor.u32 s17, v6;
	v46 =	vor.u32 s17, v7;
	v47 =	vor.u32 s20, v0;
	v30 =	vld.idx.msk [tilespmem:v30+s12+$0x0], $0xffff  }
0xb8: {  	v48 =	vor.u32 s20, v1;
	v49 =	vor.u32 s20, v2;
	v50 =	vor.u32 s20, v3;
	v33 =	vld.idx.msk [tilespmem:v33+s12+$0x0], $0xffff  }
0xb9: {  	v51 =	vor.u32 s9, v4;
	v52 =	vor.u32 s9, v5;
	v16 =	vor.u32 s9, v6;
	v36 =	vld.idx.msk [tilespmem:v36+s12+$0x0], $0xffff  }
0xba: {  	v12 =	vmax.f32 v12, v13;
	v11 =	vor.u32 s21, v7;
	v53 =	vld.idx.msk [tilespmem:v15+s12+$0x0], $0xffff;
	v15 =	vor.u32 s9, v7  }
0xbb: {  	v14 =	vmax.f32 v14, v17;
	v17 =	vmax.f32 v18, v21;
	v18 =	vmax.f32 v25, v28;
	v13 =	vld.idx.msk [tilespmem:v29+s12+$0x0], $0xffff  }
0xbc: {  	v19 =	vmax.f32 v19, v20;
	v25 =	vmax.f32 v8, v31;
	v20 =	vmax.f32 v34, v37;
	v21 =	vld.idx.msk [tilespmem:v23+s12+$0x0], $0xffff  }
0xbd: {  	v12 =	vmax.f32 v12, v14;
	v14 =	vmax.f32 v17, v18;
	v17 =	vmax.f32 v25, v20;
	v23 =	vld.idx.msk [tilespmem:v32+s12+$0x0], $0xffff  }
0xbe: {  	v8 =	vmov v22;
	v18 =	vld.idx.msk [tilespmem:v24+s12+$0x0], $0xffff;
	[tilespmem:s31+$0x1A040] =	vst v19  }
0xbf: {  	v20 =	vmax.f32 v44, v30;
	v22 =	vmax.f32 v33, v36;
	v19 =	vld.idx.msk [tilespmem:v35+s12+$0x0], $0xffff;
	[tilespmem:s31+$0x1A050] =	vst v12  }
0xc0: {  	s9 =	sshra.s32 s21, $0x2;
	v20 =	vmax.f32 v20, v22;
	v12 =	vld.idx.msk [tilespmem:v38+s12+$0x0], $0xffff;
	[tilespmem:s31+$0x1A060] =	vst v14  }
0xc1: {  	v13 =	vmax.f32 v53, v13;
	v14 =	vld.idx.msk [tilespmem:v39+s12+$0x0], $0xffff;
	[tilespmem:s9+$0x1A070] =	vst v20  }
0xc2: {  	v20 =	vld.idx.msk [tilespmem:v26+s12+$0x0], $0xffff;
	[tilespmem:s31+$0x1A080] =	vst v17;
	s31 =	smov.u32 s9  }
0xc3: {  	v17 =	vmax.f32 v21, v23;
	v21 =	vld.idx.msk [tilespmem:v27+s12+$0x0], $0xffff  }
0xc4: {  	v13 =	vmax.f32 v13, v17;
	v17 =	vld.idx.msk [tilespmem:v40+s12+$0x0], $0xffff  }
0xc5: {  	[tilespmem:s31+$0x1A010] =	vst v13;
	v13 =	vmax.f32 v18, v19;
	v18 =	vld.idx.msk [tilespmem:v41+s12+$0x0], $0xffff  }
0xc6: {  	v19 =	vld.idx.msk [tilespmem:v42+s12+$0x0], $0xffff  }
0xc7: {  	v12 =	vmax.f32 v12, v14;
	v22 =	vld.idx.msk [tilespmem:v43+s12+$0x0], $0xffff  }
0xc8: {  	v12 =	vmax.f32 v13, v12;
	v23 =	vld.idx.msk [tilespmem:v45+s12+$0x0], $0xffff  }
0xc9: {  	v14 =	vmax.f32 v20, v21;
	[tilespmem:s31+$0x1A020] =	vst v12;
	v20 =	vld.idx.msk [tilespmem:v46+s12+$0x0], $0xffff  }
0xca: {  	v12 =	vld.idx.msk [tilespmem:v47+s12+$0x0], $0xffff  }
.Ltmp1:
0xcb: {  	v17 =	vmax.f32 v17, v18;
	v13 =	vld.idx.msk [tilespmem:v48+s12+$0x0], $0xffff;
	(pc) =	sbr.rel @p1 .LBB2_5-.Ltmp1, $4  }
0xcc: {  	v17 =	vmax.f32 v14, v17;
	v14 =	vld.idx.msk [tilespmem:v49+s12+$0x0], $0xffff  }
0xcd: {  	v19 =	vmax.f32 v19, v22;
	[tilespmem:s31+$0x1A030] =	vst v17;
	v17 =	vld.idx.msk [tilespmem:v50+s12+$0x0], $0xffff  }
0xce: {  	v18 =	vld.idx.msk [tilespmem:v51+s12+$0x0], $0xffff  }
0xcf: {  	s21 =	sadd.s32 $0x200, s21;
	v20 =	vmax.f32 v23, v20;
	v21 =	vld.idx.msk [tilespmem:v52+s12+$0x0], $0xffff  }
0xd0: {  	_ =	sdelay $0x3  }
0xd1: {  	v16 =	vld.idx.msk [tilespmem:v16+s12+$0x0], $0xffff  }
0xd2: {  	v15 =	vld.idx.msk [tilespmem:v15+s12+$0x0], $0xffff  }
0xd3: {  	v9 =	vld.idx.msk [tilespmem:v9+s12+$0x0], $0xffff  }
0xd4: {  	v10 =	vld.idx.msk [tilespmem:v10+s12+$0x0], $0xffff  }
0xd5: {  	v11 =	vld.idx.msk [tilespmem:v11+s12+$0x0], $0xffff  }
0xd6: {  	s6 =	smul.u32 $0x300000, s10  }
0xd7: {  	s2 =	sshll.u32 s2, $0x10  }
0xd8: {  	v12 =	vmax.f32 v12, v13;
	v60 =	vmax.f32 v19, v20;
	s0 =	smul.u32 $0x60000, s0;
	p1 =	sne.s32 s24, $0xF;
	v59 =	vmax.f32 v14, v17;
	s2 =	sor.u32 s2, s6  }
.Ltmp2:
0xd9: {  	[tilespmem:s31+$0x1A040] =	vst v60;
	v12 =	vmax.f32 v12, v59;
	s2 =	sor.u32 s7, s2;
	v61 =	vmax.f32 v18, v21;
	v15 =	vmax.f32 v16, v15;
	(pc) =	sbr.rel @p1 .LBB2_8-.Ltmp2, $4  }
0xda: {  	[tilespmem:s31+$0x1A050] =	vst v12;
	s0 =	sadd.s32 s0, s2;
	v8 =	vmax.f32 v8, v9;
	v62 =	vmax.f32 v10, v11;
	v63 =	vmax.f32 v61, v15  }
0xdb: {  	s0 =	sshrl.u32 s0, $0x3;
	v8 =	vmax.f32 v8, v62;
	[tilespmem:s31+$0x1A060] =	vst v63  }
0xdc: {  	s0 =	sadd.s32 s3, s0;
	[tilespmem:s31+$0x1A080] =	vst v8;
	s31 =	simm.s32 $0x1A080  }
0xdd: {  	[hbm4b:s0+s11] =	stream.strided.scatter [tilespmem:s31], [sflag:$0x5], $0x2000, s8, s11, $0x38;
	[tilespmem:$0x1E180] =	vst v63  }
.Ltmp3:
0xde: {  	(pc) =	sbr.rel .LBB2_9-.Ltmp3, $4  }
0xdf: {  	_ = 	snop  }
0xe0: {  	_ =	swait.ge [sflag:s18], $0x8000  }
0xe1: {  	[sflag:s18] =	ssyncset.done $0x0  }
0xe2: {  	[sflag:s18] =	ssyncadd.s32 $0xFFFF8000  }
.LBB2_8:
0xe3: {  	s0 =	sadd.s32 $0x4, s30  }
0xe4: {  	s2 =	smulhi.u32 $0xAAAAAAAB, s0;
	_ =	sdelay $0x1  }
0xe5: {  	s2 =	sshrl.u32 s2, $0x2  }
0xe6: {  	s6 =	sadd.s32 s4, s2;
	s2 =	smul.u32 $0x6, s2  }
0xe7: {  	s7 =	sshrl.u32 s6, $0x6  }
0xe8: {  	s9 =	sshrl.u32 s6, $0x3;
	s7 =	smul.u32 $0xC00000, s7;
	s0 =	ssub.s32 s0, s2  }
0xe9: {  	s6 =	sshll.u32 s6, $0x7;
	s31 =	sand.u32 $0x7, s9;
	s0 =	sshll.u32 s0, $0x12  }
0xea: {  	s6 =	sand.u32 $0x380, s6;
	s2 =	smul.u32 $0x180000, s31;
	s0 =	sor.u32 s0, s7  }
0xeb: {  	s0 =	sor.u32 s6, s0  }
0xec: {  	s0 =	sadd.s32 s2, s0  }
0xed: {  	s0 =	sshrl.u32 s0, $0x3  }
.Ltmp4:
0xee: {  	s0 =	sadd.s32 s1, s0;
	(pc) =	sbr.rel @p0 .LBB2_10-.Ltmp4, $4  }
0xef: {  	[tilespmem:s12], [sflag:$0x2] =	stream.strided.gather [hbm4b:s0+s11], $0x8000, s8, s11, $0x38;
	[tilespmem:$0x1E180] =	vst v63  }
0xf0: {  	_ =	swait.ge [sflag:s18], $0x8000  }
0xf1: {  	[sflag:s18] =	ssyncset.done $0x0  }
0xf2: {  	[sflag:s18] =	ssyncadd.s32 $0xFFFF8000  }
.LBB2_9:
0xf3: {  	_ =	swait.ge [sflag:s19], $0x2000  }
0xf4: {  	[sflag:s19] =	ssyncset.done $0x0  }
0xf5: {  	[sflag:s19] =	ssyncadd.s32 $0xFFFFE000  }
.LBB2_10:
0xf6: {  	s2 =	simm.s32 $0x1C0  }
0xf7: {  	s0 =	simm.s32 $0x180;
	v8 =	vor.u32 s2, v4  }
0xf8: {  	v9 =	vor.u32 s0, v0  }
0xf9: {  	v10 =	vor.u32 s0, v1  }
0xfa: {  	v11 =	vor.u32 s0, v2  }
0xfb: {  	s6 =	simm.s32 $0x0;
	v12 =	vor.u32 s0, v3  }
0xfc: {  	v13 =	vor.u32 s6, v0;
	v8 =	vld.idx.msk [tilespmem:v8+s13+$0x0], $0xffff  }
0xfd: {  	v14 =	vor.u32 s6, v1;
	v9 =	vld.idx.msk [tilespmem:v9+s13+$0x0], $0xffff  }
0xfe: {  	v15 =	vor.u32 s6, v2;
	v10 =	vld.idx.msk [tilespmem:v10+s13+$0x0], $0xffff  }
0xff: {  	v16 =	vor.u32 s6, v3;
	v11 =	vld.idx.msk [tilespmem:v11+s13+$0x0], $0xffff  }
0x100: {  	v17 =	vor.u32 s6, v4;
	v12 =	vld.idx.msk [tilespmem:v12+s13+$0x0], $0xffff  }
0x101: {  	v18 =	vor.u32 s6, v5;
	v13 =	vld.idx.msk [tilespmem:v13+s13+$0x0], $0xffff  }
0x102: {  	v19 =	vor.u32 s6, v6;
	v14 =	vld.idx.msk [tilespmem:v14+s13+$0x0], $0xffff  }
0x103: {  	s21 =	simm.s32 $0x80;
	v20 =	vor.u32 s6, v7;
	v15 =	vld.idx.msk [tilespmem:v15+s13+$0x0], $0xffff  }
0x104: {  	v21 =	vor.u32 s21, v0;
	v16 =	vld.idx.msk [tilespmem:v16+s13+$0x0], $0xffff  }
0x105: {  	v22 =	vor.u32 s21, v1;
	v17 =	vld.idx.msk [tilespmem:v17+s13+$0x0], $0xffff  }
0x106: {  	v23 =	vor.u32 s21, v2;
	v18 =	vld.idx.msk [tilespmem:v18+s13+$0x0], $0xffff  }
0x107: {  	s22 =	simm.s32 $0xC0;
	v24 =	vor.u32 s21, v3;
	v19 =	vld.idx.msk [tilespmem:v19+s13+$0x0], $0xffff  }
0x108: {  	v25 =	vor.u32 s22, v4;
	v20 =	vld.idx.msk [tilespmem:v20+s13+$0x0], $0xffff  }
0x109: {  	v26 =	vor.u32 s22, v5;
	v21 =	vld.idx.msk [tilespmem:v21+s13+$0x0], $0xffff  }
0x10a: {  	v27 =	vor.u32 s22, v6;
	v22 =	vld.idx.msk [tilespmem:v22+s13+$0x0], $0xffff  }
0x10b: {  	s23 =	simm.s32 $0x100;
	v28 =	vor.u32 s22, v7;
	v23 =	vld.idx.msk [tilespmem:v23+s13+$0x0], $0xffff  }
0x10c: {  	v29 =	vor.u32 s23, v0;
	v24 =	vld.idx.msk [tilespmem:v24+s13+$0x0], $0xffff  }
0x10d: {  	v30 =	vor.u32 s23, v1;
	v25 =	vld.idx.msk [tilespmem:v25+s13+$0x0], $0xffff  }
0x10e: {  	s31 =	simm.s32 $0x140;
	v31 =	vor.u32 s23, v2;
	v26 =	vld.idx.msk [tilespmem:v26+s13+$0x0], $0xffff  }
0x10f: {  	v32 =	vor.u32 s23, v3;
	v34 =	vor.u32 s31, v5;
	v27 =	vld.idx.msk [tilespmem:v27+s13+$0x0], $0xffff;
	v9 =	vmax.f32 v9, v10  }
0x110: {  	v28 =	vld.idx.msk [tilespmem:v28+s13+$0x0], $0xffff;
	v10 =	vmax.f32 v11, v12;
	v11 =	vmax.f32 v13, v14;
	v13 =	vmax.f32 v15, v16  }
0x111: {  	s30 =	simm.s32 $0x70;
	v33 =	vor.u32 s31, v4;
	v12 =	vld.idx.msk [tilespmem:v29+s13+$0x0], $0xffff;
	v11 =	vmax.f32 v11, v13  }
0x112: {  	v14 =	vld.idx.msk [tilespmem:v30+s13+$0x0], $0xffff;
	v15 =	vor.u32 s31, v6;
	v13 =	vmax.f32 v19, v20;
	[tilespmem:s30+$0x1C090] =	vst v11;
	v11 =	vmax.f32 v17, v18  }
0x113: {  	v16 =	vld.idx.msk [tilespmem:v31+s13+$0x0], $0xffff;
	v10 =	vmax.f32 v9, v10;
	v11 =	vmax.f32 v11, v13;
	v13 =	vor.u32 s31, v7  }
0x114: {  	v9 =	vor.u32 s2, v5;
	v19 =	vmax.f32 v23, v24;
	[tilespmem:s30+$0x1C0F0] =	vst v10;
	v18 =	vmax.f32 v21, v22;
	v17 =	vld.idx.msk [tilespmem:v32+s13+$0x0], $0xffff  }
0x115: {  	v10 =	vor.u32 s2, v6;
	v21 =	vld.idx.msk [tilespmem:v34+s13+$0x0], $0xffff;
	v19 =	vmax.f32 v18, v19;
	[tilespmem:s30+$0x1C0A0] =	vst v11  }
0x116: {  	s0 =	simm.s32 $0x0;
	v20 =	vmax.f32 v27, v28;
	v18 =	vld.idx.msk [tilespmem:v33+s13+$0x0], $0xffff;
	v11 =	vor.u32 s2, v7;
	[tilespmem:s30+$0x1C0B0] =	vst v19;
	v19 =	vmax.f32 v25, v26;
	s2 =	simm.s32 $0x3C0  }
.LBB2_11:
0x117: {  	s6 =	sadd.s32 $0xFFFFFEC0, s2;
	s7 =	sadd.s32 $0xFFFFFF00, s2;
	s9 =	sadd.s32 $0xFFFFFFC0, s2;
	v22 =	vor.u32 s2, v4;
	v23 =	vor.u32 s2, v5;
	v24 =	vor.u32 s2, v6;
	v25 =	vld.idx.msk [tilespmem:v15+s13+$0x0], $0xffff  }
0x118: {  	s10 =	sadd.s32 $0xFFFFFE40, s2;
	s15 =	sadd.s32 $0xFFFFFF40, s2;
	s17 =	sadd.s32 $0xFFFFFF80, s2;
	v26 =	vor.u32 s6, v0;
	v27 =	vor.u32 s6, v1;
	v15 =	vor.u32 s9, v0;
	v28 =	vld.idx.msk [tilespmem:v13+s13+$0x0], $0xffff  }
0x119: {  	v13 =	vor.u32 s10, v0;
	v29 =	vor.u32 s10, v1;
	v30 =	vor.u32 s9, v1;
	v31 =	vld.idx.msk [tilespmem:v9+s13+$0x0], $0xffff;
	v9 =	vmovc v23  }
0x11a: {  	s0 =	sadd.s32 $0x8, s0;
	v32 =	vor.u32 s10, v3;
	v33 =	vor.u32 s9, v2;
	v23 =	vor.u32 s10, v2;
	v34 =	vld.idx.msk [tilespmem:v10+s13+$0x0], $0xffff;
	v10 =	vmovc v24  }
0x11b: {  	v35 =	vor.u32 s10, v5;
	v36 =	vor.u32 s9, v3;
	p0 =	slt.u32 s0, $0x1F8;
	v24 =	vor.u32 s10, v4;
	v37 =	vld.idx.msk [tilespmem:v11+s13+$0x0], $0xffff  }
0x11c: {  	v38 =	vor.u32 s10, v6;
	v39 =	vor.u32 s10, v7;
	v40 =	vor.u32 s6, v2;
	v22 =	vld.idx.msk [tilespmem:v22+s13+$0x0], $0xffff  }
0x11d: {  	v41 =	vor.u32 s6, v3;
	v42 =	vor.u32 s7, v4;
	v43 =	vor.u32 s7, v5;
	v44 =	vld.idx.msk [tilespmem:v15+s13+$0x0], $0xffff  }
0x11e: {  	v45 =	vor.u32 s7, v6;
	v46 =	vor.u32 s7, v7;
	v47 =	vor.u32 s15, v0;
	v30 =	vld.idx.msk [tilespmem:v30+s13+$0x0], $0xffff  }
0x11f: {  	v48 =	vor.u32 s15, v1;
	v49 =	vor.u32 s15, v2;
	v50 =	vor.u32 s15, v3;
	v33 =	vld.idx.msk [tilespmem:v33+s13+$0x0], $0xffff  }
0x120: {  	v51 =	vor.u32 s17, v4;
	v52 =	vor.u32 s17, v5;
	v15 =	vor.u32 s17, v6;
	v36 =	vld.idx.msk [tilespmem:v36+s13+$0x0], $0xffff  }
0x121: {  	v12 =	vmax.f32 v12, v14;
	v11 =	vor.u32 s2, v7;
	v53 =	vld.idx.msk [tilespmem:v13+s13+$0x0], $0xffff;
	v13 =	vor.u32 s17, v7  }
0x122: {  	v16 =	vmax.f32 v16, v17;
	v17 =	vmax.f32 v18, v21;
	v18 =	vmax.f32 v25, v28;
	v14 =	vld.idx.msk [tilespmem:v29+s13+$0x0], $0xffff  }
0x123: {  	v19 =	vmax.f32 v19, v20;
	v25 =	vmax.f32 v8, v31;
	v20 =	vmax.f32 v34, v37;
	v21 =	vld.idx.msk [tilespmem:v23+s13+$0x0], $0xffff  }
0x124: {  	v12 =	vmax.f32 v12, v16;
	v16 =	vmax.f32 v17, v18;
	v17 =	vmax.f32 v25, v20;
	v23 =	vld.idx.msk [tilespmem:v32+s13+$0x0], $0xffff  }
0x125: {  	v8 =	vmov v22;
	v18 =	vld.idx.msk [tilespmem:v24+s13+$0x0], $0xffff;
	[tilespmem:s30+$0x1C0C0] =	vst v19  }
0x126: {  	v20 =	vmax.f32 v44, v30;
	v22 =	vmax.f32 v33, v36;
	v19 =	vld.idx.msk [tilespmem:v35+s13+$0x0], $0xffff;
	[tilespmem:s30+$0x1C0D0] =	vst v12  }
0x127: {  	s6 =	sshra.s32 s2, $0x2;
	v20 =	vmax.f32 v20, v22;
	v12 =	vld.idx.msk [tilespmem:v38+s13+$0x0], $0xffff;
	[tilespmem:s30+$0x1C0E0] =	vst v16  }
0x128: {  	v14 =	vmax.f32 v53, v14;
	v16 =	vld.idx.msk [tilespmem:v39+s13+$0x0], $0xffff;
	[tilespmem:s6+$0x1C0F0] =	vst v20  }
0x129: {  	v20 =	vld.idx.msk [tilespmem:v26+s13+$0x0], $0xffff;
	[tilespmem:s30+$0x1C100] =	vst v17;
	s30 =	smov.u32 s6  }
0x12a: {  	v17 =	vmax.f32 v21, v23;
	v21 =	vld.idx.msk [tilespmem:v27+s13+$0x0], $0xffff  }
0x12b: {  	v14 =	vmax.f32 v14, v17;
	v17 =	vld.idx.msk [tilespmem:v40+s13+$0x0], $0xffff  }
0x12c: {  	[tilespmem:s30+$0x1C090] =	vst v14;
	v14 =	vmax.f32 v18, v19;
	v18 =	vld.idx.msk [tilespmem:v41+s13+$0x0], $0xffff  }
0x12d: {  	v19 =	vld.idx.msk [tilespmem:v42+s13+$0x0], $0xffff  }
0x12e: {  	v12 =	vmax.f32 v12, v16;
	v22 =	vld.idx.msk [tilespmem:v43+s13+$0x0], $0xffff  }
0x12f: {  	v12 =	vmax.f32 v14, v12;
	v23 =	vld.idx.msk [tilespmem:v45+s13+$0x0], $0xffff  }
0x130: {  	v16 =	vmax.f32 v20, v21;
	[tilespmem:s30+$0x1C0A0] =	vst v12;
	v20 =	vld.idx.msk [tilespmem:v46+s13+$0x0], $0xffff  }
0x131: {  	v12 =	vld.idx.msk [tilespmem:v47+s13+$0x0], $0xffff  }
.Ltmp5:
0x132: {  	v17 =	vmax.f32 v17, v18;
	v14 =	vld.idx.msk [tilespmem:v48+s13+$0x0], $0xffff;
	(pc) =	sbr.rel @p0 .LBB2_11-.Ltmp5, $4  }
0x133: {  	v17 =	vmax.f32 v16, v17;
	v16 =	vld.idx.msk [tilespmem:v49+s13+$0x0], $0xffff  }
0x134: {  	v19 =	vmax.f32 v19, v22;
	[tilespmem:s30+$0x1C0B0] =	vst v17;
	v17 =	vld.idx.msk [tilespmem:v50+s13+$0x0], $0xffff  }
0x135: {  	v18 =	vld.idx.msk [tilespmem:v51+s13+$0x0], $0xffff  }
0x136: {  	s2 =	sadd.s32 $0x200, s2;
	v20 =	vmax.f32 v23, v20;
	v21 =	vld.idx.msk [tilespmem:v52+s13+$0x0], $0xffff  }
0x137: {  	_ =	sdelay $0x3  }
0x138: {  	v15 =	vld.idx.msk [tilespmem:v15+s13+$0x0], $0xffff  }
0x139: {  	v13 =	vld.idx.msk [tilespmem:v13+s13+$0x0], $0xffff  }
0x13a: {  	v9 =	vld.idx.msk [tilespmem:v9+s13+$0x0], $0xffff  }
0x13b: {  	v10 =	vld.idx.msk [tilespmem:v10+s13+$0x0], $0xffff  }
0x13c: {  	v11 =	vld.idx.msk [tilespmem:v11+s13+$0x0], $0xffff  }
0x13d: {  	s0 =	smul.u32 $0x300000, s26  }
0x13e: {  	s2 =	sshll.u32 s29, $0x10;
	s24 =	sadd.s32 $0x1, s24  }
0x13f: {  	v12 =	vmax.f32 v12, v14;
	v60 =	vmax.f32 v19, v20;
	s6 =	smul.u32 $0x60000, s28;
	p0 =	sne.s32 s24, $0x10;
	v59 =	vmax.f32 v16, v17;
	s0 =	sor.u32 s2, s0  }
.Ltmp6:
0x140: {  	[tilespmem:s30+$0x1C0C0] =	vst v60;
	v12 =	vmax.f32 v12, v59;
	s0 =	sor.u32 s25, s0;
	v61 =	vmax.f32 v18, v21;
	v13 =	vmax.f32 v15, v13;
	(pc) =	sbr.rel @p0 .LBB2_2-.Ltmp6, $4  }
0x141: {  	[tilespmem:s30+$0x1C0D0] =	vst v12;
	s0 =	sadd.s32 s6, s0;
	v8 =	vmax.f32 v8, v9;
	v62 =	vmax.f32 v10, v11;
	v63 =	vmax.f32 v61, v13  }
0x142: {  	s0 =	sshrl.u32 s0, $0x3;
	v8 =	vmax.f32 v8, v62;
	[tilespmem:s30+$0x1C0E0] =	vst v63  }
0x143: {  	s31 =	simm.s32 $0x1C100;
	s0 =	sadd.s32 s3, s0;
	[tilespmem:s30+$0x1C100] =	vst v8  }
0x144: {  	[hbm4b:s0+s11] =	stream.strided.scatter [tilespmem:s31], [sflag:$0x6], $0x2000, s8, s11, $0x38;
	[tilespmem:$0x1E180] =	vst v63  }
0x145: {  	s0 =	simm.s32 $0x4  }
0x146: {  	_ =	swait.ge [sflag:s0], $0x2000  }
0x147: {  	[sflag:s0] =	ssyncset.done $0x0  }
0x148: {  	s30 =	simm.s32 $0x5;
	[sflag:s0] =	ssyncadd.s32 $0xFFFFE000  }
0x149: {  	_ =	swait.ge [sflag:s30], $0x2000  }
0x14a: {  	[sflag:s30] =	ssyncset.done $0x0  }
0x14b: {  	[sflag:s30] =	ssyncadd.s32 $0xFFFFE000  }
0x14c: {  	_ =	swait.ge [sflag:s19], $0x2000  }
0x14d: {  	s2 =	rddreg [dreg:$0x7]  }
0x14e: {  	s31 =	rddreg [dreg:$0x6];
	s2 =	sadd.s32 $0x1, s2  }
0x14f: {  	p0 =	sne.s32 s2, s31  }
.Ltmp7:
0x150: {  	_ = 	snop;
	(pc) =	sbr.rel @p0 .LBB2_1-.Ltmp7, $3  }
0x151: {  	_ =	sdelay $0x1  }
0x152: {  	[sflag:s19] =	ssyncset.done $0x0  }
0x153: {  	[sflag:s19] =	ssyncadd.s32 $0xFFFFE000  }
0x154: {  	_ =	sfence.sel $0x180000  }
0x155: {  	[bflag:$0x0] =	sbarrier.arrive $0xFFFF  }
0x156: {  	_ =	strace $0x90000047  }
0x157: {  	s0 =	stileid.u32;
	[bflag:$0x2] =	sbarrier.arrive $0xFFFF  }
0x158: {  	p0 =	sne.s32 s0, $0x0;
	s0 =	rddreg [dreg:$0x2]  }
0x159: {  	s0 =	sadd.s32 @!p0 $0x100000, s0  }
0x15a: {  	[sflag:s0] =	ssyncadd.tile.s32 @!p0 $0x1;
	_ =	shalt  }
.Lfunc_end2:
_tile_overlayer_lowered:
.L_overlay_start_2:
0x15b: {  	(tag) =	ssettag $0x2  }
0x15c: {  	s0 =	rddreg [dreg:$0x0];
	s2 =	stileid.u32  }
0x15d: {  	s1 =	rddreg [dreg:$0x1];
	p0 =	sne.s32 s2, $0x0  }
0x15e: {  	s3 =	rddreg [dreg:$0x2];
	[bflag:$0x3] =	sbarrier.arrive $0xFFFF;
	s2 =	simm.s32 @!p0 $0x1C07  }
0x15f: {  	[timem:s3], [sflag:s2] =	dma.local @!p0 [hbm:s0], s1  }
0x160: {  	s0 =	simm.s32 @!p0 $0x7  }
0x161: {  	_ =	swait.ge @!p0 [sflag:s0], s1  }
0x162: {  	s1 =	ssub.s32 @!p0 $0x0, s1;
	[sflag:s0] =	ssyncset.done @!p0 $0x0  }
0x163: {  	[sflag:s0] =	ssyncadd.s32 @!p0 s1  }
0x164: {  	[bflag:$0x3] =	sbarrier.arrive $0xFFFF  }
0x165: {  	_ =	shalt  }

</sc_bundles>
